<compile_context>
chip_gen: v7x
topology: tpu7x:2x2x1
jax: 0.10.2.dev20260603
libtpu: 0.0.44.dev20260713+nightly
codegen_flags: <defaults>
</compile_context>

<pallas_src>
import functools

import jax
import jax.numpy as jnp
from jax import lax
from jax.experimental import pallas as pl
from jax.experimental.pallas import tpu as pltpu
from jax.experimental.pallas import tpu_sc as plsc

N = 10000
E = 320000
D = 128
G = 64
DO = 16

NC = 2
NS = 16
NW = NC * NS
LANE = 128
CH0 = 80
CH1 = 80
TOTCH = NS * (CH0 + CH1)
CHD = TOTCH // NW
PH = 2
CH0P = CH0 // PH
CH1P = CH1 // PH
CHPM = CH0P
PADCH = TOTCH + CHPM - CH1P
NBR = 2
SDEPTH = 8
EP = PADCH * LANE
NP = 10240
RPC = NP // NS
CW = D
BLK = 512
GRID = NP // BLK


def _deg_body(dst2, ones_hbm, zcnt_hbm, out, dstv, onesv, cnt_sh, ssem):
    c = lax.axis_index("c")
    s = lax.axis_index("s")
    w = s * NC + c
    sl = pl.ds(s * RPC, RPC)
    pltpu.sync_copy(zcnt_hbm.at[sl], cnt_sh.at[sl])
    pltpu.sync_copy(ones_hbm, onesv)
    pltpu.sync_copy(dst2.at[pl.ds(w * CHD, CHD)], dstv)
    plsc.subcore_barrier()

    def chunk(j, carry):
        pltpu.async_copy(onesv, cnt_sh.at[dstv.at[j]], ssem, add=True)

        @pl.when(j >= SDEPTH)
        def _():
            pltpu.make_async_copy(onesv, cnt_sh.at[dstv.at[0]], ssem).wait()

        return carry

    lax.fori_loop(0, CHD, chunk, 0)

    def drain(j, carry):
        pltpu.make_async_copy(onesv, cnt_sh.at[dstv.at[0]], ssem).wait()
        return carry

    lax.fori_loop(0, min(SDEPTH, CHD), drain, 0)
    plsc.subcore_barrier()
    pltpu.sync_copy(cnt_sh.at[sl], out.at[c, sl])


@functools.lru_cache(maxsize=None)
def _sc_calls():
    mesh = plsc.VectorSubcoreMesh(
        core_axis_name="c", subcore_axis_name="s",
        num_cores=NC, num_subcores=NS)
    deg_call = pl.kernel(
        _deg_body,
        out_type=jax.ShapeDtypeStruct((NC, NP, CW), jnp.float32),
        mesh=mesh,
        scratch_types=[
            pltpu.VMEM((CHD, LANE), jnp.int32),
            pltpu.VMEM((LANE, CW), jnp.float32),
            pltpu.VMEM_SHARED((NP, CW), jnp.float32),
            pltpu.SemaphoreType.DMA,
        ],
    )
    agg_call = pl.kernel(
        _agg_body,
        out_type=jax.ShapeDtypeStruct((NC, NP, D), jnp.float32),
        mesh=mesh,
        scratch_types=[
            pltpu.VMEM((CHPM, LANE), jnp.int32),
            pltpu.VMEM((CHPM, LANE), jnp.int32),
            pltpu.VMEM((NBR * LANE, D), jnp.float32),
            pltpu.VMEM_SHARED((NP, D), jnp.float32),
            pltpu.SemaphoreType.DMA,
        ],
    )
    return deg_call, agg_call


def _agg_body(hp, srcc, dstc, zrow_hbm, out, srcv, dstv, rows, acc_sh, gsem):
    c = lax.axis_index("c")
    s = lax.axis_index("s")
    sl = pl.ds(s * RPC, RPC)
    chnp = jnp.where(c == 0, CH0P, CH1P)
    start = jnp.where(c == 0, s * CH0, NS * CH0 + s * CH1)

    @pl.when(c == 0)
    def _():
        pltpu.sync_copy(hp.at[sl], acc_sh.at[sl])

    @pl.when(c != 0)
    def _():
        pltpu.sync_copy(zrow_hbm.at[sl], acc_sh.at[sl])

    plsc.subcore_barrier()

    def slot(j):
        return pl.ds((j % NBR) * LANE, LANE)

    for p in range(PH):
        base = start + p * chnp
        pltpu.sync_copy(srcc.at[pl.ds(base, CHPM)], srcv)
        pltpu.sync_copy(dstc.at[pl.ds(base, CHPM)], dstv)

        pltpu.async_copy(hp.at[srcv.at[0]], rows.at[slot(0)], gsem)

        def chunk(j, carry):
            bs = slot(j)
            pltpu.make_async_copy(hp.at[srcv.at[j]], rows.at[bs], gsem).wait()

            @pl.when(j + 1 < chnp)
            def _():
                pltpu.async_copy(hp.at[srcv.at[j + 1]], rows.at[slot(j + 1)],
                                 gsem)

            pltpu.sync_copy(rows.at[bs], acc_sh.at[dstv.at[j]], add=True)
            return carry

        lax.fori_loop(0, chnp, chunk, 0)

    plsc.subcore_barrier()
    pltpu.sync_copy(acc_sh.at[sl], out.at[c, sl])



def _dinv_from(deg_ref):
    cnt = jnp.max(deg_ref[0] + deg_ref[1], axis=1, keepdims=True)
    return lax.rsqrt(cnt + 1.0)


def _tc1a_body(x_ref, w_ref, out_ref):
    out_ref[...] = jnp.dot(x_ref[...], w_ref[...],
                           preferred_element_type=jnp.float32)


_tc1a_call = pl.pallas_call(
    _tc1a_body,
    grid=(GRID,),
    in_specs=[
        pl.BlockSpec((BLK, D), lambda i: (i, 0)),
        pl.BlockSpec((D, D), lambda i: (0, 0)),
    ],
    out_specs=pl.BlockSpec((BLK, D), lambda i: (i, 0)),
    out_shape=jax.ShapeDtypeStruct((NP, D), jnp.float32),
)


def _tc1b_body(deg_ref, h_ref, out_ref):
    out_ref[...] = h_ref[...] * _dinv_from(deg_ref)


_tc1b_call = pl.pallas_call(
    _tc1b_body,
    grid=(GRID,),
    in_specs=[
        pl.BlockSpec((NC, BLK, CW), lambda i: (0, i, 0)),
        pl.BlockSpec((BLK, D), lambda i: (i, 0)),
    ],
    out_specs=pl.BlockSpec((BLK, D), lambda i: (i, 0)),
    out_shape=jax.ShapeDtypeStruct((NP, D), jnp.float32),
)


def _tc2_body(deg_ref, acc_ref, b_ref, w_ref, out_ref):
    dinv = _dinv_from(deg_ref)
    z = jnp.maximum(dinv * (acc_ref[0] + acc_ref[1]) + b_ref[...], 0.0)
    out_ref[...] = jnp.dot(
        z, w_ref[...], preferred_element_type=jnp.float32) * dinv


_tc2_call = pl.pallas_call(
    _tc2_body,
    grid=(GRID,),
    in_specs=[
        pl.BlockSpec((NC, BLK, CW), lambda i: (0, i, 0)),
        pl.BlockSpec((NC, BLK, D), lambda i: (0, i, 0)),
        pl.BlockSpec((1, D), lambda i: (0, 0)),
        pl.BlockSpec((D, D), lambda i: (0, 0)),
    ],
    out_specs=pl.BlockSpec((BLK, D), lambda i: (i, 0)),
    out_shape=jax.ShapeDtypeStruct((NP, D), jnp.float32),
)


def _tc3_body(deg_ref, acc_ref, b_ref, batch_ref, wf_ref, bf_ref, out_ref,
              pooled, cntp):
    i = pl.program_id(0)

    @pl.when(i == 0)
    def _():
        pooled[...] = jnp.zeros_like(pooled)
        cntp[...] = jnp.zeros_like(cntp)

    dinv = _dinv_from(deg_ref)
    z = jnp.maximum(dinv * (acc_ref[0] + acc_ref[1]) + b_ref[...], 0.0)
    oh = (batch_ref[...] == lax.broadcasted_iota(
        jnp.int32, (BLK, G), 1)).astype(jnp.float32)
    dn = (((0,), (0,)), ((), ()))
    pooled[...] += lax.dot_general(oh, z, dn,
                                   preferred_element_type=jnp.float32)
    cntp[...] += lax.dot_general(oh, jnp.ones((BLK, D), jnp.float32), dn,
                                 preferred_element_type=jnp.float32)
    pool = pooled[...] / jnp.maximum(cntp[...], 1.0)
    out_ref[...] = jnp.dot(
        pool, wf_ref[...], preferred_element_type=jnp.float32) + bf_ref[...]


_tc3_call = pl.pallas_call(
    _tc3_body,
    grid=(GRID,),
    in_specs=[
        pl.BlockSpec((NC, BLK, CW), lambda i: (0, i, 0)),
        pl.BlockSpec((NC, BLK, D), lambda i: (0, i, 0)),
        pl.BlockSpec((1, D), lambda i: (0, 0)),
        pl.BlockSpec((BLK, 1), lambda i: (i, 0)),
        pl.BlockSpec((D, DO), lambda i: (0, 0)),
        pl.BlockSpec((1, DO), lambda i: (0, 0)),
    ],
    out_specs=pl.BlockSpec((G, DO), lambda i: (0, 0)),
    out_shape=jax.ShapeDtypeStruct((G, DO), jnp.float32),
    scratch_shapes=[
        pltpu.VMEM((G, D), jnp.float32),
        pltpu.VMEM((G, D), jnp.float32),
    ],
)



def kernel(x, edge_index, batch, W1, b1, W2, b2, Wf, bf):
    i32 = jnp.int32
    pad_idx = N + (jnp.arange(EP - E, dtype=i32) % (NP - N))
    srcc = jnp.concatenate([edge_index[0].astype(i32), pad_idx])
    srcc = srcc.reshape(PADCH, LANE)
    dstc = jnp.concatenate([edge_index[1].astype(i32), pad_idx])
    dstc = dstc.reshape(PADCH, LANE)
    xp = jnp.pad(x.astype(jnp.float32), ((0, NP - N), (0, 0)))
    batchp = jnp.pad(batch.astype(i32), (0, NP - N),
                     constant_values=G).reshape(NP, 1)
    ones_cw = jnp.ones((LANE, CW), jnp.float32)
    zrow = jnp.zeros((NP, D), jnp.float32)

    _deg_call, _agg_call = _sc_calls()
    deg = _deg_call(dstc, ones_cw, zrow)
    h1 = _tc1a_call(xp, W1.astype(jnp.float32))
    hp1 = _tc1b_call(deg, h1)
    acc1 = _agg_call(hp1, srcc, dstc, zrow)
    hp2 = _tc2_call(deg, acc1, b1.reshape(1, D).astype(jnp.float32),
                    W2.astype(jnp.float32))
    acc2 = _agg_call(hp2, srcc, dstc, zrow)
    out = _tc3_call(deg, acc2, b2.reshape(1, D).astype(jnp.float32), batchp,
                    Wf.astype(jnp.float32), bf.reshape(1, DO).astype(jnp.float32))
    return out

# --- scband reference (transcript-rebuilt; emitter-appended) ---
"""Pipeline reference for scband-kmgcn-47863115547260 (READ-ONLY COPY).

The authoritative reference and input builder live on the scoring server;
editing this copy changes nothing except your own understanding.
"""

import jax, jax.numpy as jnp
import numpy as np

N = 10000
E = 320000
D_IN = 128
D_H = 128
D_OUT = 16
G = 64  # number of graphs in the batch


def setup_inputs(seed: int = 0) -> dict:
    key = jax.random.key(seed)
    ks = jax.random.split(key, 9)
    x = jax.random.normal(ks[0], (N, D_IN), dtype=jnp.float32)
    edge_index = jax.random.randint(ks[1], (2, E), 0, N, dtype=jnp.int32)
    batch = jnp.sort(jax.random.randint(ks[2], (N,), 0, G, dtype=jnp.int32))
    W1 = jax.random.normal(ks[3], (D_IN, D_H), dtype=jnp.float32) / np.sqrt(D_IN)
    b1 = jnp.zeros((D_H,), dtype=jnp.float32)
    W2 = jax.random.normal(ks[4], (D_H, D_H), dtype=jnp.float32) / np.sqrt(D_H)
    b2 = jnp.zeros((D_H,), dtype=jnp.float32)
    Wf = jax.random.normal(ks[5], (D_H, D_OUT), dtype=jnp.float32) / np.sqrt(D_H)
    bf = jnp.zeros((D_OUT,), dtype=jnp.float32)
    return {"x": x, "edge_index": edge_index, "batch": batch,
            "W1": W1, "b1": b1, "W2": W2, "b2": b2, "Wf": Wf, "bf": bf}


def _gcn_conv(x, edge_index, W, b):
    # PyG GCNConv: add self-loops, symmetric normalization deg^-1/2 A deg^-1/2 (X W) + b
    n = x.shape[0]
    loop = jnp.arange(n, dtype=edge_index.dtype)
    src = jnp.concatenate([edge_index[0], loop])
    dst = jnp.concatenate([edge_index[1], loop])
    deg = jnp.zeros((n,), dtype=x.dtype).at[dst].add(1.0)
    dinv = jnp.where(deg > 0, 1.0 / jnp.sqrt(deg), 0.0)
    norm = dinv[src] * dinv[dst]
    h = x @ W
    msg = h[src] * norm[:, None]
    out = jnp.zeros((n, W.shape[1]), dtype=x.dtype).at[dst].add(msg)
    return out + b


def reference(x, edge_index, batch, W1, b1, W2, b2, Wf, bf):
    # dropout is identity in eval mode
    h = jax.nn.relu(_gcn_conv(x, edge_index, W1, b1))
    h = jax.nn.relu(_gcn_conv(h, edge_index, W2, b2))
    sums = jax.ops.segment_sum(h, batch, num_segments=G)
    cnt = jax.ops.segment_sum(jnp.ones((h.shape[0], 1), dtype=h.dtype), batch, num_segments=G)
    pooled = sums / jnp.maximum(cnt, 1.0)
    return pooled @ Wf + bf

if __name__ == "__main__":
    import jax
    _d = setup_inputs()
    print(jax.jit(kernel)(*tuple(_d.values())))

</pallas_src>

<mosaic_0001>
#map = affine_map<(d0, d1) -> (0, 0)>
#map1 = affine_map<(d0, d1) -> (0, 0, 0)>
module attributes {stable_mosaic.version = 14 : i64} {
  func.func @_deg_body(%arg0: i32, %arg1: i32, %arg2: memref<2560x128xi32, #tpu.memory_space<hbm>>, %arg3: memref<128x128xf32, #tpu.memory_space<hbm>>, %arg4: memref<10240x128xf32, #tpu.memory_space<hbm>>, %arg5: memref<2x10240x128xf32, #tpu.memory_space<hbm>>, %arg6: memref<80x128xi32, #tpu.memory_space<vmem>>, %arg7: memref<128x128xf32, #tpu.memory_space<vmem>>, %arg8: memref<10240x128xf32, #tpu.memory_space<vmem_shared>>, %arg9: memref<!tpu.dma_semaphore, #tpu.memory_space<semaphore_mem>>) attributes {dimension_semantics = [#tpu.dimension_semantics<core_parallel>, #tpu.dimension_semantics<subcore_parallel>], iteration_bounds = array<i64: 2, 16>, scalar_prefetch = 0 : i64, scratch_operands = 4 : i64, tpu.core_type = #tpu.core_type<sc_vector_subcore>, window_params = [{transform_indices = #map}, {transform_indices = #map}, {transform_indices = #map}, {transform_indices = #map1}]} {
    %mul3A = arith.constant 2 : i32
    %mul3A_0 = arith.muli %arg1, %mul3A : i32
    %add3A = arith.addi %mul3A_0, %arg0 : i32
    %mul3A_1 = arith.constant 640 : i32
    %mul3A_2 = arith.muli %arg1, %mul3A_1 : i32
    "tpu.region"() ({
      %run_scoped3A = tpu.sem_alloc : memref<!tpu.dma_semaphore, #tpu.memory_space<semaphore_mem>>
      %dma_start3A = arith.constant 0 : i32
      %dma_start3A_17 = tpu.memref_slice %arg8[%mul3A_2, %dma_start3A] : memref<10240x128xf32, #tpu.memory_space<vmem_shared>> -> memref<640x128xf32, #tpu.memory_space<vmem_shared>>
      %dma_start3A_18 = arith.constant 0 : i32
      %dma_start3A_19 = tpu.memref_slice %arg4[%mul3A_2, %dma_start3A_18] : memref<10240x128xf32, #tpu.memory_space<hbm>> -> memref<640x128xf32, #tpu.memory_space<hbm>>
      tpu.enqueue_dma source(%dma_start3A_19 : memref<640x128xf32, #tpu.memory_space<hbm>>) target(%dma_start3A_17 : memref<640x128xf32, #tpu.memory_space<vmem_shared>>) target_semaphore(%run_scoped3A : memref<!tpu.dma_semaphore, #tpu.memory_space<semaphore_mem>>)
      %dma_wait3A = arith.constant 0 : i32
      %dma_wait3A_20 = tpu.memref_slice %arg8[%mul3A_2, %dma_wait3A] : memref<10240x128xf32, #tpu.memory_space<vmem_shared>> -> memref<640x128xf32, #tpu.memory_space<vmem_shared>>
      %dma_wait3A_21 = arith.constant 0 : i32
      %dma_wait3A_22 = tpu.memref_slice %arg4[%mul3A_2, %dma_wait3A_21] : memref<10240x128xf32, #tpu.memory_space<hbm>> -> memref<640x128xf32, #tpu.memory_space<hbm>>
      tpu.wait_dma2 semaphore(%run_scoped3A : memref<!tpu.dma_semaphore, #tpu.memory_space<semaphore_mem>>) src(%dma_wait3A_22 : memref<640x128xf32, #tpu.memory_space<hbm>>) dst(%dma_wait3A_20 : memref<640x128xf32, #tpu.memory_space<vmem_shared>>)
      tpu.yield
    }) : () -> ()
    "tpu.region"() ({
      %run_scoped3A = tpu.sem_alloc : memref<!tpu.dma_semaphore, #tpu.memory_space<semaphore_mem>>
      tpu.enqueue_dma source(%arg3 : memref<128x128xf32, #tpu.memory_space<hbm>>) target(%arg7 : memref<128x128xf32, #tpu.memory_space<vmem>>) target_semaphore(%run_scoped3A : memref<!tpu.dma_semaphore, #tpu.memory_space<semaphore_mem>>)
      tpu.wait_dma2 semaphore(%run_scoped3A : memref<!tpu.dma_semaphore, #tpu.memory_space<semaphore_mem>>) src(%arg3 : memref<128x128xf32, #tpu.memory_space<hbm>>) dst(%arg7 : memref<128x128xf32, #tpu.memory_space<vmem>>)
      tpu.yield
    }) : () -> ()
    %mul3A_3 = arith.constant 80 : i32
    %mul3A_4 = arith.muli %add3A, %mul3A_3 : i32
    "tpu.region"() ({
      %run_scoped3A = tpu.sem_alloc : memref<!tpu.dma_semaphore, #tpu.memory_space<semaphore_mem>>
      %dma_start3A = arith.constant 0 : i32
      %dma_start3A_17 = tpu.memref_slice %arg2[%mul3A_4, %dma_start3A] : memref<2560x128xi32, #tpu.memory_space<hbm>> -> memref<80x128xi32, #tpu.memory_space<hbm>>
      %dma_start3A_18 = arith.constant 0 : i32
      %dma_start3A_19 = tpu.memref_slice %arg2[%mul3A_4, %dma_start3A_18] : memref<2560x128xi32, #tpu.memory_space<hbm>> -> memref<80x128xi32, #tpu.memory_space<hbm>>
      tpu.enqueue_dma source(%dma_start3A_19 : memref<80x128xi32, #tpu.memory_space<hbm>>) target(%arg6 : memref<80x128xi32, #tpu.memory_space<vmem>>) target_semaphore(%run_scoped3A : memref<!tpu.dma_semaphore, #tpu.memory_space<semaphore_mem>>)
      %dma_wait3A = arith.constant 0 : i32
      %dma_wait3A_20 = tpu.memref_slice %arg2[%mul3A_4, %dma_wait3A] : memref<2560x128xi32, #tpu.memory_space<hbm>> -> memref<80x128xi32, #tpu.memory_space<hbm>>
      %dma_wait3A_21 = arith.constant 0 : i32
      %dma_wait3A_22 = tpu.memref_slice %arg2[%mul3A_4, %dma_wait3A_21] : memref<2560x128xi32, #tpu.memory_space<hbm>> -> memref<80x128xi32, #tpu.memory_space<hbm>>
      tpu.wait_dma2 semaphore(%run_scoped3A : memref<!tpu.dma_semaphore, #tpu.memory_space<semaphore_mem>>) src(%dma_wait3A_22 : memref<80x128xi32, #tpu.memory_space<hbm>>) dst(%arg6 : memref<80x128xi32, #tpu.memory_space<vmem>>)
      tpu.yield
    }) : () -> ()
    %barrier3A = arith.constant 0 : index
    tpu.barrier barrier_id(%barrier3A)
    %scan3A = arith.constant 0 : i32
    %scan3A_5 = arith.constant 0 : i32
    %scan3A_6 = arith.constant 80 : i32
    %scan3A_7 = arith.addi %scan3A_5, %scan3A_6 : i32
    %scan3A_8 = arith.constant 1 : i32
    scf.for %scan3A_17 = %scan3A_5 to %scan3A_7 step %scan3A_8  : i32 {
      %dma_start3A = arith.constant 0 : i32
      %dma_start3A_18 = tpu.memref_slice %arg6[%scan3A_17, %dma_start3A] : memref<80x128xi32, #tpu.memory_space<vmem>> -> memref<1x128xi32, #tpu.memory_space<vmem>>
      %dma_start3A_19 = tpu.memref_squeeze %dma_start3A_18 : memref<1x128xi32, #tpu.memory_space<vmem>> -> memref<128xi32, #tpu.memory_space<vmem>>
      %dma_start3A_20 = arith.constant 0 : i32
      %dma_start3A_21 = arith.constant 0 : i32
      %dma_start3A_22 = tpu.memref_slice %arg8[%dma_start3A_20, %dma_start3A_21] : memref<10240x128xf32, #tpu.memory_space<vmem_shared>> -> memref<10240x128xf32, #tpu.memory_space<vmem_shared>>
      tpu.enqueue_indirect_dma source(%arg7 : memref<128x128xf32, #tpu.memory_space<vmem>>) target(%dma_start3A_22 : memref<10240x128xf32, #tpu.memory_space<vmem_shared>>) offsets(%dma_start3A_19 : memref<128xi32, #tpu.memory_space<vmem>>) semaphore(%arg9 : memref<!tpu.dma_semaphore, #tpu.memory_space<semaphore_mem>>) {add = true}
      %ge3A = arith.constant 8 : i32
      %ge3A_23 = arith.cmpi sge, %scan3A_17, %ge3A : i32
      %convert_element_type3A = arith.extui %ge3A_23 : i1 to i32
      %cond3A = arith.constant 0 : i32
      %cond3A_24 = arith.cmpi ne, %convert_element_type3A, %cond3A : i32
      scf.if %cond3A_24 {
        %dma_wait3A = arith.constant 0 : i32
        %dma_wait3A_25 = arith.constant 0 : i32
        %dma_wait3A_26 = tpu.memref_slice %arg6[%dma_wait3A, %dma_wait3A_25] : memref<80x128xi32, #tpu.memory_space<vmem>> -> memref<1x128xi32, #tpu.memory_space<vmem>>
        %dma_wait3A_27 = tpu.memref_squeeze %dma_wait3A_26 : memref<1x128xi32, #tpu.memory_space<vmem>> -> memref<128xi32, #tpu.memory_space<vmem>>
        %dma_wait3A_28 = arith.constant 0 : i32
        %dma_wait3A_29 = arith.constant 0 : i32
        %dma_wait3A_30 = tpu.memref_slice %arg8[%dma_wait3A_28, %dma_wait3A_29] : memref<10240x128xf32, #tpu.memory_space<vmem_shared>> -> memref<10240x128xf32, #tpu.memory_space<vmem_shared>>
        tpu.wait_indirect_dma semaphore(%arg9 : memref<!tpu.dma_semaphore, #tpu.memory_space<semaphore_mem>>) src(%arg7 : memref<128x128xf32, #tpu.memory_space<vmem>>) dst(%dma_wait3A_30 : memref<10240x128xf32, #tpu.memory_space<vmem_shared>>)
      } else {
      }
    }
    %scan3A_9 = arith.constant 80 : i32
    %scan3A_10 = arith.constant 0 : i32
    %scan3A_11 = arith.constant 0 : i32
    %scan3A_12 = arith.constant 8 : i32
    %scan3A_13 = arith.addi %scan3A_11, %scan3A_12 : i32
    %scan3A_14 = arith.constant 1 : i32
    scf.for %scan3A_17 = %scan3A_11 to %scan3A_13 step %scan3A_14  : i32 {
      %dma_wait3A = arith.constant 0 : i32
      %dma_wait3A_18 = arith.constant 0 : i32
      %dma_wait3A_19 = tpu.memref_slice %arg6[%dma_wait3A, %dma_wait3A_18] : memref<80x128xi32, #tpu.memory_space<vmem>> -> memref<1x128xi32, #tpu.memory_space<vmem>>
      %dma_wait3A_20 = tpu.memref_squeeze %dma_wait3A_19 : memref<1x128xi32, #tpu.memory_space<vmem>> -> memref<128xi32, #tpu.memory_space<vmem>>
      %dma_wait3A_21 = arith.constant 0 : i32
      %dma_wait3A_22 = arith.constant 0 : i32
      %dma_wait3A_23 = tpu.memref_slice %arg8[%dma_wait3A_21, %dma_wait3A_22] : memref<10240x128xf32, #tpu.memory_space<vmem_shared>> -> memref<10240x128xf32, #tpu.memory_space<vmem_shared>>
      tpu.wait_indirect_dma semaphore(%arg9 : memref<!tpu.dma_semaphore, #tpu.memory_space<semaphore_mem>>) src(%arg7 : memref<128x128xf32, #tpu.memory_space<vmem>>) dst(%dma_wait3A_23 : memref<10240x128xf32, #tpu.memory_space<vmem_shared>>)
    }
    %scan3A_15 = arith.constant 8 : i32
    %barrier3A_16 = arith.constant 0 : index
    tpu.barrier barrier_id(%barrier3A_16)
    "tpu.region"() ({
      %run_scoped3A = tpu.sem_alloc : memref<!tpu.dma_semaphore, #tpu.memory_space<semaphore_mem>>
      %dma_start3A = arith.constant 0 : i32
      %dma_start3A_17 = tpu.memref_slice %arg5[%arg0, %mul3A_2, %dma_start3A] : memref<2x10240x128xf32, #tpu.memory_space<hbm>> -> memref<1x640x128xf32, #tpu.memory_space<hbm>>
      %dma_start3A_18 = tpu.memref_squeeze %dma_start3A_17 : memref<1x640x128xf32, #tpu.memory_space<hbm>> -> memref<640x128xf32, #tpu.memory_space<hbm>>
      %dma_start3A_19 = arith.constant 0 : i32
      %dma_start3A_20 = tpu.memref_slice %arg8[%mul3A_2, %dma_start3A_19] : memref<10240x128xf32, #tpu.memory_space<vmem_shared>> -> memref<640x128xf32, #tpu.memory_space<vmem_shared>>
      tpu.enqueue_dma source(%dma_start3A_20 : memref<640x128xf32, #tpu.memory_space<vmem_shared>>) target(%dma_start3A_18 : memref<640x128xf32, #tpu.memory_space<hbm>>) target_semaphore(%run_scoped3A : memref<!tpu.dma_semaphore, #tpu.memory_space<semaphore_mem>>)
      %dma_wait3A = arith.constant 0 : i32
      %dma_wait3A_21 = tpu.memref_slice %arg5[%arg0, %mul3A_2, %dma_wait3A] : memref<2x10240x128xf32, #tpu.memory_space<hbm>> -> memref<1x640x128xf32, #tpu.memory_space<hbm>>
      %dma_wait3A_22 = tpu.memref_squeeze %dma_wait3A_21 : memref<1x640x128xf32, #tpu.memory_space<hbm>> -> memref<640x128xf32, #tpu.memory_space<hbm>>
      %dma_wait3A_23 = arith.constant 0 : i32
      %dma_wait3A_24 = tpu.memref_slice %arg8[%mul3A_2, %dma_wait3A_23] : memref<10240x128xf32, #tpu.memory_space<vmem_shared>> -> memref<640x128xf32, #tpu.memory_space<vmem_shared>>
      tpu.wait_dma2 semaphore(%run_scoped3A : memref<!tpu.dma_semaphore, #tpu.memory_space<semaphore_mem>>) src(%dma_wait3A_24 : memref<640x128xf32, #tpu.memory_space<vmem_shared>>) dst(%dma_wait3A_22 : memref<640x128xf32, #tpu.memory_space<hbm>>)
      tpu.yield
    }) : () -> ()
    return
  }
}

#map = affine_map<(d0, d1) -> (0, 0)>
#map1 = affine_map<(d0, d1) -> (0, 0, 0)>
module attributes {stable_mosaic.version = 14 : i64} {
  func.func @_agg_body(%arg0: i32, %arg1: i32, %arg2: memref<10240x128xf32, #tpu.memory_space<hbm>>, %arg3: memref<2560x128xi32, #tpu.memory_space<hbm>>, %arg4: memref<2560x128xi32, #tpu.memory_space<hbm>>, %arg5: memref<10240x128xf32, #tpu.memory_space<hbm>>, %arg6: memref<2x10240x128xf32, #tpu.memory_space<hbm>>, %arg7: memref<40x128xi32, #tpu.memory_space<vmem>>, %arg8: memref<40x128xi32, #tpu.memory_space<vmem>>, %arg9: memref<256x128xf32, #tpu.memory_space<vmem>>, %arg10: memref<10240x128xf32, #tpu.memory_space<vmem_shared>>, %arg11: memref<!tpu.dma_semaphore, #tpu.memory_space<semaphore_mem>>) attributes {dimension_semantics = [#tpu.dimension_semantics<core_parallel>, #tpu.dimension_semantics<subcore_parallel>], iteration_bounds = array<i64: 2, 16>, scalar_prefetch = 0 : i64, scratch_operands = 5 : i64, tpu.core_type = #tpu.core_type<sc_vector_subcore>, window_params = [{transform_indices = #map}, {transform_indices = #map}, {transform_indices = #map}, {transform_indices = #map}, {transform_indices = #map1}]} {
    %mul3A = arith.constant 640 : i32
    %mul3A_0 = arith.muli %arg1, %mul3A : i32
    %eq3A = arith.constant 0 : i32
    %eq3A_1 = arith.cmpi eq, %arg0, %eq3A : i32
    %jit3A = arith.constant 40 : i32
    %jit3A_2 = arith.constant 40 : i32
    %select_n3A = arith.select %eq3A_1, %jit3A, %jit3A_2 : i32
    %eq3A_3 = arith.constant 0 : i32
    %eq3A_4 = arith.cmpi eq, %arg0, %eq3A_3 : i32
    %mul3A_5 = arith.constant 80 : i32
    %mul3A_6 = arith.muli %arg1, %mul3A_5 : i32
    %mul3A_7 = arith.constant 80 : i32
    %mul3A_8 = arith.muli %arg1, %mul3A_7 : i32
    %add3A = arith.constant 1280 : i32
    %add3A_9 = arith.addi %add3A, %mul3A_8 : i32
    %select_n3A_10 = arith.select %eq3A_4, %mul3A_6, %add3A_9 : i32
    %eq3A_11 = arith.constant 0 : i32
    %eq3A_12 = arith.cmpi eq, %arg0, %eq3A_11 : i32
    %convert_element_type3A = arith.extui %eq3A_12 : i1 to i32
    %cond3A = arith.constant 0 : i32
    %cond3A_13 = arith.cmpi ne, %convert_element_type3A, %cond3A : i32
    scf.if %cond3A_13 {
      "tpu.region"() ({
        %run_scoped3A = tpu.sem_alloc : memref<!tpu.dma_semaphore, #tpu.memory_space<semaphore_mem>>
        %dma_start3A_63 = arith.constant 0 : i32
        %dma_start3A_64 = tpu.memref_slice %arg10[%mul3A_0, %dma_start3A_63] : memref<10240x128xf32, #tpu.memory_space<vmem_shared>> -> memref<640x128xf32, #tpu.memory_space<vmem_shared>>
        %dma_start3A_65 = arith.constant 0 : i32
        %dma_start3A_66 = tpu.memref_slice %arg2[%mul3A_0, %dma_start3A_65] : memref<10240x128xf32, #tpu.memory_space<hbm>> -> memref<640x128xf32, #tpu.memory_space<hbm>>
        tpu.enqueue_dma source(%dma_start3A_66 : memref<640x128xf32, #tpu.memory_space<hbm>>) target(%dma_start3A_64 : memref<640x128xf32, #tpu.memory_space<vmem_shared>>) target_semaphore(%run_scoped3A : memref<!tpu.dma_semaphore, #tpu.memory_space<semaphore_mem>>)
        %dma_wait3A = arith.constant 0 : i32
        %dma_wait3A_67 = tpu.memref_slice %arg10[%mul3A_0, %dma_wait3A] : memref<10240x128xf32, #tpu.memory_space<vmem_shared>> -> memref<640x128xf32, #tpu.memory_space<vmem_shared>>
        %dma_wait3A_68 = arith.constant 0 : i32
        %dma_wait3A_69 = tpu.memref_slice %arg2[%mul3A_0, %dma_wait3A_68] : memref<10240x128xf32, #tpu.memory_space<hbm>> -> memref<640x128xf32, #tpu.memory_space<hbm>>
        tpu.wait_dma2 semaphore(%run_scoped3A : memref<!tpu.dma_semaphore, #tpu.memory_space<semaphore_mem>>) src(%dma_wait3A_69 : memref<640x128xf32, #tpu.memory_space<hbm>>) dst(%dma_wait3A_67 : memref<640x128xf32, #tpu.memory_space<vmem_shared>>)
        tpu.yield
      }) : () -> ()
    } else {
    }
    %ne3A = arith.constant 0 : i32
    %ne3A_14 = arith.cmpi ne, %arg0, %ne3A : i32
    %convert_element_type3A_15 = arith.extui %ne3A_14 : i1 to i32
    %cond3A_16 = arith.constant 0 : i32
    %cond3A_17 = arith.cmpi ne, %convert_element_type3A_15, %cond3A_16 : i32
    scf.if %cond3A_17 {
      "tpu.region"() ({
        %run_scoped3A = tpu.sem_alloc : memref<!tpu.dma_semaphore, #tpu.memory_space<semaphore_mem>>
        %dma_start3A_63 = arith.constant 0 : i32
        %dma_start3A_64 = tpu.memref_slice %arg10[%mul3A_0, %dma_start3A_63] : memref<10240x128xf32, #tpu.memory_space<vmem_shared>> -> memref<640x128xf32, #tpu.memory_space<vmem_shared>>
        %dma_start3A_65 = arith.constant 0 : i32
        %dma_start3A_66 = tpu.memref_slice %arg5[%mul3A_0, %dma_start3A_65] : memref<10240x128xf32, #tpu.memory_space<hbm>> -> memref<640x128xf32, #tpu.memory_space<hbm>>
        tpu.enqueue_dma source(%dma_start3A_66 : memref<640x128xf32, #tpu.memory_space<hbm>>) target(%dma_start3A_64 : memref<640x128xf32, #tpu.memory_space<vmem_shared>>) target_semaphore(%run_scoped3A : memref<!tpu.dma_semaphore, #tpu.memory_space<semaphore_mem>>)
        %dma_wait3A = arith.constant 0 : i32
        %dma_wait3A_67 = tpu.memref_slice %arg10[%mul3A_0, %dma_wait3A] : memref<10240x128xf32, #tpu.memory_space<vmem_shared>> -> memref<640x128xf32, #tpu.memory_space<vmem_shared>>
        %dma_wait3A_68 = arith.constant 0 : i32
        %dma_wait3A_69 = tpu.memref_slice %arg5[%mul3A_0, %dma_wait3A_68] : memref<10240x128xf32, #tpu.memory_space<hbm>> -> memref<640x128xf32, #tpu.memory_space<hbm>>
        tpu.wait_dma2 semaphore(%run_scoped3A : memref<!tpu.dma_semaphore, #tpu.memory_space<semaphore_mem>>) src(%dma_wait3A_69 : memref<640x128xf32, #tpu.memory_space<hbm>>) dst(%dma_wait3A_67 : memref<640x128xf32, #tpu.memory_space<vmem_shared>>)
        tpu.yield
      }) : () -> ()
    } else {
    }
    %barrier3A = arith.constant 0 : index
    tpu.barrier barrier_id(%barrier3A)
    %mul3A_18 = arith.constant 0 : i32
    %mul3A_19 = arith.muli %mul3A_18, %select_n3A : i32
    %add3A_20 = arith.addi %select_n3A_10, %mul3A_19 : i32
    "tpu.region"() ({
      %run_scoped3A = tpu.sem_alloc : memref<!tpu.dma_semaphore, #tpu.memory_space<semaphore_mem>>
      %dma_start3A_63 = arith.constant 0 : i32
      %dma_start3A_64 = tpu.memref_slice %arg3[%add3A_20, %dma_start3A_63] : memref<2560x128xi32, #tpu.memory_space<hbm>> -> memref<40x128xi32, #tpu.memory_space<hbm>>
      %dma_start3A_65 = arith.constant 0 : i32
      %dma_start3A_66 = tpu.memref_slice %arg3[%add3A_20, %dma_start3A_65] : memref<2560x128xi32, #tpu.memory_space<hbm>> -> memref<40x128xi32, #tpu.memory_space<hbm>>
      tpu.enqueue_dma source(%dma_start3A_66 : memref<40x128xi32, #tpu.memory_space<hbm>>) target(%arg7 : memref<40x128xi32, #tpu.memory_space<vmem>>) target_semaphore(%run_scoped3A : memref<!tpu.dma_semaphore, #tpu.memory_space<semaphore_mem>>)
      %dma_wait3A = arith.constant 0 : i32
      %dma_wait3A_67 = tpu.memref_slice %arg3[%add3A_20, %dma_wait3A] : memref<2560x128xi32, #tpu.memory_space<hbm>> -> memref<40x128xi32, #tpu.memory_space<hbm>>
      %dma_wait3A_68 = arith.constant 0 : i32
      %dma_wait3A_69 = tpu.memref_slice %arg3[%add3A_20, %dma_wait3A_68] : memref<2560x128xi32, #tpu.memory_space<hbm>> -> memref<40x128xi32, #tpu.memory_space<hbm>>
      tpu.wait_dma2 semaphore(%run_scoped3A : memref<!tpu.dma_semaphore, #tpu.memory_space<semaphore_mem>>) src(%dma_wait3A_69 : memref<40x128xi32, #tpu.memory_space<hbm>>) dst(%arg7 : memref<40x128xi32, #tpu.memory_space<vmem>>)
      tpu.yield
    }) : () -> ()
    "tpu.region"() ({
      %run_scoped3A = tpu.sem_alloc : memref<!tpu.dma_semaphore, #tpu.memory_space<semaphore_mem>>
      %dma_start3A_63 = arith.constant 0 : i32
      %dma_start3A_64 = tpu.memref_slice %arg4[%add3A_20, %dma_start3A_63] : memref<2560x128xi32, #tpu.memory_space<hbm>> -> memref<40x128xi32, #tpu.memory_space<hbm>>
      %dma_start3A_65 = arith.constant 0 : i32
      %dma_start3A_66 = tpu.memref_slice %arg4[%add3A_20, %dma_start3A_65] : memref<2560x128xi32, #tpu.memory_space<hbm>> -> memref<40x128xi32, #tpu.memory_space<hbm>>
      tpu.enqueue_dma source(%dma_start3A_66 : memref<40x128xi32, #tpu.memory_space<hbm>>) target(%arg8 : memref<40x128xi32, #tpu.memory_space<vmem>>) target_semaphore(%run_scoped3A : memref<!tpu.dma_semaphore, #tpu.memory_space<semaphore_mem>>)
      %dma_wait3A = arith.constant 0 : i32
      %dma_wait3A_67 = tpu.memref_slice %arg4[%add3A_20, %dma_wait3A] : memref<2560x128xi32, #tpu.memory_space<hbm>> -> memref<40x128xi32, #tpu.memory_space<hbm>>
      %dma_wait3A_68 = arith.constant 0 : i32
      %dma_wait3A_69 = tpu.memref_slice %arg4[%add3A_20, %dma_wait3A_68] : memref<2560x128xi32, #tpu.memory_space<hbm>> -> memref<40x128xi32, #tpu.memory_space<hbm>>
      tpu.wait_dma2 semaphore(%run_scoped3A : memref<!tpu.dma_semaphore, #tpu.memory_space<semaphore_mem>>) src(%dma_wait3A_69 : memref<40x128xi32, #tpu.memory_space<hbm>>) dst(%arg8 : memref<40x128xi32, #tpu.memory_space<vmem>>)
      tpu.yield
    }) : () -> ()
    %dma_start3A = arith.constant 0 : i32
    %dma_start3A_21 = arith.constant 0 : i32
    %dma_start3A_22 = arith.constant 0 : i32
    %dma_start3A_23 = tpu.memref_slice %arg9[%dma_start3A_21, %dma_start3A_22] : memref<256x128xf32, #tpu.memory_space<vmem>> -> memref<128x128xf32, #tpu.memory_space<vmem>>
    %dma_start3A_24 = arith.constant 0 : i32
    %dma_start3A_25 = tpu.memref_slice %arg7[%dma_start3A, %dma_start3A_24] : memref<40x128xi32, #tpu.memory_space<vmem>> -> memref<1x128xi32, #tpu.memory_space<vmem>>
    %dma_start3A_26 = tpu.memref_squeeze %dma_start3A_25 : memref<1x128xi32, #tpu.memory_space<vmem>> -> memref<128xi32, #tpu.memory_space<vmem>>
    %dma_start3A_27 = arith.constant 0 : i32
    %dma_start3A_28 = arith.constant 0 : i32
    %dma_start3A_29 = tpu.memref_slice %arg2[%dma_start3A_27, %dma_start3A_28] : memref<10240x128xf32, #tpu.memory_space<hbm>> -> memref<10240x128xf32, #tpu.memory_space<hbm>>
    tpu.enqueue_indirect_dma source(%dma_start3A_29 : memref<10240x128xf32, #tpu.memory_space<hbm>>) target(%dma_start3A_23 : memref<128x128xf32, #tpu.memory_space<vmem>>) offsets(%dma_start3A_26 : memref<128xi32, #tpu.memory_space<vmem>>) semaphore(%arg11 : memref<!tpu.dma_semaphore, #tpu.memory_space<semaphore_mem>>)
    %while3A = arith.constant 0 : i32
    %while3A_30 = arith.constant 0 : i32
    %while3A_31 = arith.subi %select_n3A, %while3A_30 : i32
    %while3A_32 = arith.addi %while3A_30, %while3A_31 : i32
    %while3A_33 = arith.constant 1 : i32
    %while3A_34 = arith.divsi %while3A_31, %while3A_33 : i32
    %while3A_35 = arith.muli %while3A_34, %while3A_33 : i32
    %while3A_36 = arith.addi %while3A_30, %while3A_35 : i32
    %while3A_37 = arith.constant 1 : i32
    scf.for %while3A_63 = %while3A_30 to %while3A_36 step %while3A_37  : i32 {
      %jit3A_64 = arith.constant 2 : i32
      %eq3A_65 = arith.constant 0 : i32
      %eq3A_66 = arith.cmpi eq, %jit3A_64, %eq3A_65 : i32
      %jit3A_67 = arith.constant 1 : i32
      %select_n3A_68 = arith.select %eq3A_66, %jit3A_67, %jit3A_64 : i32
      %rem3A = arith.remsi %while3A_63, %select_n3A_68 : i32
      %ne3A_69 = arith.constant 0 : i32
      %ne3A_70 = arith.cmpi ne, %rem3A, %ne3A_69 : i32
      %lt3A = arith.constant 0 : i32
      %lt3A_71 = arith.cmpi slt, %rem3A, %lt3A : i32
      %lt3A_72 = arith.constant 0 : i32
      %lt3A_73 = arith.cmpi slt, %select_n3A_68, %lt3A_72 : i32
      %ne3A_74 = arith.xori %lt3A_71, %lt3A_73 : i1
      %and3A = arith.andi %ne3A_74, %ne3A_70 : i1
      %add3A_75 = arith.addi %rem3A, %select_n3A_68 : i32
      %select_n3A_76 = arith.select %and3A, %add3A_75, %rem3A : i32
      %mul3A_77 = arith.constant 128 : i32
      %mul3A_78 = arith.muli %select_n3A_76, %mul3A_77 : i32
      %dma_wait3A = arith.constant 0 : i32
      %dma_wait3A_79 = tpu.memref_slice %arg9[%mul3A_78, %dma_wait3A] : memref<256x128xf32, #tpu.memory_space<vmem>> -> memref<128x128xf32, #tpu.memory_space<vmem>>
      %dma_wait3A_80 = arith.constant 0 : i32
      %dma_wait3A_81 = tpu.memref_slice %arg7[%while3A_63, %dma_wait3A_80] : memref<40x128xi32, #tpu.memory_space<vmem>> -> memref<1x128xi32, #tpu.memory_space<vmem>>
      %dma_wait3A_82 = tpu.memref_squeeze %dma_wait3A_81 : memref<1x128xi32, #tpu.memory_space<vmem>> -> memref<128xi32, #tpu.memory_space<vmem>>
      %dma_wait3A_83 = arith.constant 0 : i32
      %dma_wait3A_84 = arith.constant 0 : i32
      %dma_wait3A_85 = tpu.memref_slice %arg2[%dma_wait3A_83, %dma_wait3A_84] : memref<10240x128xf32, #tpu.memory_space<hbm>> -> memref<10240x128xf32, #tpu.memory_space<hbm>>
      tpu.wait_indirect_dma semaphore(%arg11 : memref<!tpu.dma_semaphore, #tpu.memory_space<semaphore_mem>>) src(%dma_wait3A_85 : memref<10240x128xf32, #tpu.memory_space<hbm>>) dst(%dma_wait3A_79 : memref<128x128xf32, #tpu.memory_space<vmem>>)
      %add3A_86 = arith.constant 1 : i32
      %add3A_87 = arith.addi %while3A_63, %add3A_86 : i32
      %lt3A_88 = arith.cmpi slt, %add3A_87, %select_n3A : i32
      %convert_element_type3A_89 = arith.extui %lt3A_88 : i1 to i32
      %cond3A_90 = arith.constant 0 : i32
      %cond3A_91 = arith.cmpi ne, %convert_element_type3A_89, %cond3A_90 : i32
      scf.if %cond3A_91 {
        %add3A_92 = arith.constant 1 : i32
        %add3A_93 = arith.addi %while3A_63, %add3A_92 : i32
        %add3A_94 = arith.constant 1 : i32
        %add3A_95 = arith.addi %while3A_63, %add3A_94 : i32
        %jit3A_96 = arith.constant 2 : i32
        %eq3A_97 = arith.constant 0 : i32
        %eq3A_98 = arith.cmpi eq, %jit3A_96, %eq3A_97 : i32
        %jit3A_99 = arith.constant 1 : i32
        %select_n3A_100 = arith.select %eq3A_98, %jit3A_99, %jit3A_96 : i32
        %rem3A_101 = arith.remsi %add3A_95, %select_n3A_100 : i32
        %ne3A_102 = arith.constant 0 : i32
        %ne3A_103 = arith.cmpi ne, %rem3A_101, %ne3A_102 : i32
        %lt3A_104 = arith.constant 0 : i32
        %lt3A_105 = arith.cmpi slt, %rem3A_101, %lt3A_104 : i32
        %lt3A_106 = arith.constant 0 : i32
        %lt3A_107 = arith.cmpi slt, %select_n3A_100, %lt3A_106 : i32
        %ne3A_108 = arith.xori %lt3A_105, %lt3A_107 : i1
        %and3A_109 = arith.andi %ne3A_108, %ne3A_103 : i1
        %add3A_110 = arith.addi %rem3A_101, %select_n3A_100 : i32
        %select_n3A_111 = arith.select %and3A_109, %add3A_110, %rem3A_101 : i32
        %mul3A_112 = arith.constant 128 : i32
        %mul3A_113 = arith.muli %select_n3A_111, %mul3A_112 : i32
        %dma_start3A_114 = arith.constant 0 : i32
        %dma_start3A_115 = tpu.memref_slice %arg9[%mul3A_113, %dma_start3A_114] : memref<256x128xf32, #tpu.memory_space<vmem>> -> memref<128x128xf32, #tpu.memory_space<vmem>>
        %dma_start3A_116 = arith.constant 0 : i32
        %dma_start3A_117 = tpu.memref_slice %arg7[%add3A_93, %dma_start3A_116] : memref<40x128xi32, #tpu.memory_space<vmem>> -> memref<1x128xi32, #tpu.memory_space<vmem>>
        %dma_start3A_118 = tpu.memref_squeeze %dma_start3A_117 : memref<1x128xi32, #tpu.memory_space<vmem>> -> memref<128xi32, #tpu.memory_space<vmem>>
        %dma_start3A_119 = arith.constant 0 : i32
        %dma_start3A_120 = arith.constant 0 : i32
        %dma_start3A_121 = tpu.memref_slice %arg2[%dma_start3A_119, %dma_start3A_120] : memref<10240x128xf32, #tpu.memory_space<hbm>> -> memref<10240x128xf32, #tpu.memory_space<hbm>>
        tpu.enqueue_indirect_dma source(%dma_start3A_121 : memref<10240x128xf32, #tpu.memory_space<hbm>>) target(%dma_start3A_115 : memref<128x128xf32, #tpu.memory_space<vmem>>) offsets(%dma_start3A_118 : memref<128xi32, #tpu.memory_space<vmem>>) semaphore(%arg11 : memref<!tpu.dma_semaphore, #tpu.memory_space<semaphore_mem>>)
      } else {
      }
      "tpu.region"() ({
        %run_scoped3A = tpu.sem_alloc : memref<!tpu.dma_semaphore, #tpu.memory_space<semaphore_mem>>
        %dma_start3A_92 = arith.constant 0 : i32
        %dma_start3A_93 = tpu.memref_slice %arg9[%mul3A_78, %dma_start3A_92] : memref<256x128xf32, #tpu.memory_space<vmem>> -> memref<128x128xf32, #tpu.memory_space<vmem>>
        %dma_start3A_94 = arith.constant 0 : i32
        %dma_start3A_95 = tpu.memref_slice %arg8[%while3A_63, %dma_start3A_94] : memref<40x128xi32, #tpu.memory_space<vmem>> -> memref<1x128xi32, #tpu.memory_space<vmem>>
        %dma_start3A_96 = tpu.memref_squeeze %dma_start3A_95 : memref<1x128xi32, #tpu.memory_space<vmem>> -> memref<128xi32, #tpu.memory_space<vmem>>
        %dma_start3A_97 = arith.constant 0 : i32
        %dma_start3A_98 = arith.constant 0 : i32
        %dma_start3A_99 = tpu.memref_slice %arg10[%dma_start3A_97, %dma_start3A_98] : memref<10240x128xf32, #tpu.memory_space<vmem_shared>> -> memref<10240x128xf32, #tpu.memory_space<vmem_shared>>
        tpu.enqueue_indirect_dma source(%dma_start3A_93 : memref<128x128xf32, #tpu.memory_space<vmem>>) target(%dma_start3A_99 : memref<10240x128xf32, #tpu.memory_space<vmem_shared>>) offsets(%dma_start3A_96 : memref<128xi32, #tpu.memory_space<vmem>>) semaphore(%run_scoped3A : memref<!tpu.dma_semaphore, #tpu.memory_space<semaphore_mem>>) {add = true}
        %dma_wait3A_100 = arith.constant 0 : i32
        %dma_wait3A_101 = tpu.memref_slice %arg9[%mul3A_78, %dma_wait3A_100] : memref<256x128xf32, #tpu.memory_space<vmem>> -> memref<128x128xf32, #tpu.memory_space<vmem>>
        %dma_wait3A_102 = arith.constant 0 : i32
        %dma_wait3A_103 = tpu.memref_slice %arg8[%while3A_63, %dma_wait3A_102] : memref<40x128xi32, #tpu.memory_space<vmem>> -> memref<1x128xi32, #tpu.memory_space<vmem>>
        %dma_wait3A_104 = tpu.memref_squeeze %dma_wait3A_103 : memref<1x128xi32, #tpu.memory_space<vmem>> -> memref<128xi32, #tpu.memory_space<vmem>>
        %dma_wait3A_105 = arith.constant 0 : i32
        %dma_wait3A_106 = arith.constant 0 : i32
        %dma_wait3A_107 = tpu.memref_slice %arg10[%dma_wait3A_105, %dma_wait3A_106] : memref<10240x128xf32, #tpu.memory_space<vmem_shared>> -> memref<10240x128xf32, #tpu.memory_space<vmem_shared>>
        tpu.wait_indirect_dma semaphore(%run_scoped3A : memref<!tpu.dma_semaphore, #tpu.memory_space<semaphore_mem>>) src(%dma_wait3A_101 : memref<128x128xf32, #tpu.memory_space<vmem>>) dst(%dma_wait3A_107 : memref<10240x128xf32, #tpu.memory_space<vmem_shared>>)
        tpu.yield
      }) : () -> ()
    }
    %while3A_38 = arith.constant 1 : i32
    scf.for %while3A_63 = %while3A_36 to %while3A_32 step %while3A_38  : i32 {
      %jit3A_64 = arith.constant 2 : i32
      %eq3A_65 = arith.constant 0 : i32
      %eq3A_66 = arith.cmpi eq, %jit3A_64, %eq3A_65 : i32
      %jit3A_67 = arith.constant 1 : i32
      %select_n3A_68 = arith.select %eq3A_66, %jit3A_67, %jit3A_64 : i32
      %rem3A = arith.remsi %while3A_63, %select_n3A_68 : i32
      %ne3A_69 = arith.constant 0 : i32
      %ne3A_70 = arith.cmpi ne, %rem3A, %ne3A_69 : i32
      %lt3A = arith.constant 0 : i32
      %lt3A_71 = arith.cmpi slt, %rem3A, %lt3A : i32
      %lt3A_72 = arith.constant 0 : i32
      %lt3A_73 = arith.cmpi slt, %select_n3A_68, %lt3A_72 : i32
      %ne3A_74 = arith.xori %lt3A_71, %lt3A_73 : i1
      %and3A = arith.andi %ne3A_74, %ne3A_70 : i1
      %add3A_75 = arith.addi %rem3A, %select_n3A_68 : i32
      %select_n3A_76 = arith.select %and3A, %add3A_75, %rem3A : i32
      %mul3A_77 = arith.constant 128 : i32
      %mul3A_78 = arith.muli %select_n3A_76, %mul3A_77 : i32
      %dma_wait3A = arith.constant 0 : i32
      %dma_wait3A_79 = tpu.memref_slice %arg9[%mul3A_78, %dma_wait3A] : memref<256x128xf32, #tpu.memory_space<vmem>> -> memref<128x128xf32, #tpu.memory_space<vmem>>
      %dma_wait3A_80 = arith.constant 0 : i32
      %dma_wait3A_81 = tpu.memref_slice %arg7[%while3A_63, %dma_wait3A_80] : memref<40x128xi32, #tpu.memory_space<vmem>> -> memref<1x128xi32, #tpu.memory_space<vmem>>
      %dma_wait3A_82 = tpu.memref_squeeze %dma_wait3A_81 : memref<1x128xi32, #tpu.memory_space<vmem>> -> memref<128xi32, #tpu.memory_space<vmem>>
      %dma_wait3A_83 = arith.constant 0 : i32
      %dma_wait3A_84 = arith.constant 0 : i32
      %dma_wait3A_85 = tpu.memref_slice %arg2[%dma_wait3A_83, %dma_wait3A_84] : memref<10240x128xf32, #tpu.memory_space<hbm>> -> memref<10240x128xf32, #tpu.memory_space<hbm>>
      tpu.wait_indirect_dma semaphore(%arg11 : memref<!tpu.dma_semaphore, #tpu.memory_space<semaphore_mem>>) src(%dma_wait3A_85 : memref<10240x128xf32, #tpu.memory_space<hbm>>) dst(%dma_wait3A_79 : memref<128x128xf32, #tpu.memory_space<vmem>>)
      %add3A_86 = arith.constant 1 : i32
      %add3A_87 = arith.addi %while3A_63, %add3A_86 : i32
      %lt3A_88 = arith.cmpi slt, %add3A_87, %select_n3A : i32
      %convert_element_type3A_89 = arith.extui %lt3A_88 : i1 to i32
      %cond3A_90 = arith.constant 0 : i32
      %cond3A_91 = arith.cmpi ne, %convert_element_type3A_89, %cond3A_90 : i32
      scf.if %cond3A_91 {
        %add3A_92 = arith.constant 1 : i32
        %add3A_93 = arith.addi %while3A_63, %add3A_92 : i32
        %add3A_94 = arith.constant 1 : i32
        %add3A_95 = arith.addi %while3A_63, %add3A_94 : i32
        %jit3A_96 = arith.constant 2 : i32
        %eq3A_97 = arith.constant 0 : i32
        %eq3A_98 = arith.cmpi eq, %jit3A_96, %eq3A_97 : i32
        %jit3A_99 = arith.constant 1 : i32
        %select_n3A_100 = arith.select %eq3A_98, %jit3A_99, %jit3A_96 : i32
        %rem3A_101 = arith.remsi %add3A_95, %select_n3A_100 : i32
        %ne3A_102 = arith.constant 0 : i32
        %ne3A_103 = arith.cmpi ne, %rem3A_101, %ne3A_102 : i32
        %lt3A_104 = arith.constant 0 : i32
        %lt3A_105 = arith.cmpi slt, %rem3A_101, %lt3A_104 : i32
        %lt3A_106 = arith.constant 0 : i32
        %lt3A_107 = arith.cmpi slt, %select_n3A_100, %lt3A_106 : i32
        %ne3A_108 = arith.xori %lt3A_105, %lt3A_107 : i1
        %and3A_109 = arith.andi %ne3A_108, %ne3A_103 : i1
        %add3A_110 = arith.addi %rem3A_101, %select_n3A_100 : i32
        %select_n3A_111 = arith.select %and3A_109, %add3A_110, %rem3A_101 : i32
        %mul3A_112 = arith.constant 128 : i32
        %mul3A_113 = arith.muli %select_n3A_111, %mul3A_112 : i32
        %dma_start3A_114 = arith.constant 0 : i32
        %dma_start3A_115 = tpu.memref_slice %arg9[%mul3A_113, %dma_start3A_114] : memref<256x128xf32, #tpu.memory_space<vmem>> -> memref<128x128xf32, #tpu.memory_space<vmem>>
        %dma_start3A_116 = arith.constant 0 : i32
        %dma_start3A_117 = tpu.memref_slice %arg7[%add3A_93, %dma_start3A_116] : memref<40x128xi32, #tpu.memory_space<vmem>> -> memref<1x128xi32, #tpu.memory_space<vmem>>
        %dma_start3A_118 = tpu.memref_squeeze %dma_start3A_117 : memref<1x128xi32, #tpu.memory_space<vmem>> -> memref<128xi32, #tpu.memory_space<vmem>>
        %dma_start3A_119 = arith.constant 0 : i32
        %dma_start3A_120 = arith.constant 0 : i32
        %dma_start3A_121 = tpu.memref_slice %arg2[%dma_start3A_119, %dma_start3A_120] : memref<10240x128xf32, #tpu.memory_space<hbm>> -> memref<10240x128xf32, #tpu.memory_space<hbm>>
        tpu.enqueue_indirect_dma source(%dma_start3A_121 : memref<10240x128xf32, #tpu.memory_space<hbm>>) target(%dma_start3A_115 : memref<128x128xf32, #tpu.memory_space<vmem>>) offsets(%dma_start3A_118 : memref<128xi32, #tpu.memory_space<vmem>>) semaphore(%arg11 : memref<!tpu.dma_semaphore, #tpu.memory_space<semaphore_mem>>)
      } else {
      }
      "tpu.region"() ({
        %run_scoped3A = tpu.sem_alloc : memref<!tpu.dma_semaphore, #tpu.memory_space<semaphore_mem>>
        %dma_start3A_92 = arith.constant 0 : i32
        %dma_start3A_93 = tpu.memref_slice %arg9[%mul3A_78, %dma_start3A_92] : memref<256x128xf32, #tpu.memory_space<vmem>> -> memref<128x128xf32, #tpu.memory_space<vmem>>
        %dma_start3A_94 = arith.constant 0 : i32
        %dma_start3A_95 = tpu.memref_slice %arg8[%while3A_63, %dma_start3A_94] : memref<40x128xi32, #tpu.memory_space<vmem>> -> memref<1x128xi32, #tpu.memory_space<vmem>>
        %dma_start3A_96 = tpu.memref_squeeze %dma_start3A_95 : memref<1x128xi32, #tpu.memory_space<vmem>> -> memref<128xi32, #tpu.memory_space<vmem>>
        %dma_start3A_97 = arith.constant 0 : i32
        %dma_start3A_98 = arith.constant 0 : i32
        %dma_start3A_99 = tpu.memref_slice %arg10[%dma_start3A_97, %dma_start3A_98] : memref<10240x128xf32, #tpu.memory_space<vmem_shared>> -> memref<10240x128xf32, #tpu.memory_space<vmem_shared>>
        tpu.enqueue_indirect_dma source(%dma_start3A_93 : memref<128x128xf32, #tpu.memory_space<vmem>>) target(%dma_start3A_99 : memref<10240x128xf32, #tpu.memory_space<vmem_shared>>) offsets(%dma_start3A_96 : memref<128xi32, #tpu.memory_space<vmem>>) semaphore(%run_scoped3A : memref<!tpu.dma_semaphore, #tpu.memory_space<semaphore_mem>>) {add = true}
        %dma_wait3A_100 = arith.constant 0 : i32
        %dma_wait3A_101 = tpu.memref_slice %arg9[%mul3A_78, %dma_wait3A_100] : memref<256x128xf32, #tpu.memory_space<vmem>> -> memref<128x128xf32, #tpu.memory_space<vmem>>
        %dma_wait3A_102 = arith.constant 0 : i32
        %dma_wait3A_103 = tpu.memref_slice %arg8[%while3A_63, %dma_wait3A_102] : memref<40x128xi32, #tpu.memory_space<vmem>> -> memref<1x128xi32, #tpu.memory_space<vmem>>
        %dma_wait3A_104 = tpu.memref_squeeze %dma_wait3A_103 : memref<1x128xi32, #tpu.memory_space<vmem>> -> memref<128xi32, #tpu.memory_space<vmem>>
        %dma_wait3A_105 = arith.constant 0 : i32
        %dma_wait3A_106 = arith.constant 0 : i32
        %dma_wait3A_107 = tpu.memref_slice %arg10[%dma_wait3A_105, %dma_wait3A_106] : memref<10240x128xf32, #tpu.memory_space<vmem_shared>> -> memref<10240x128xf32, #tpu.memory_space<vmem_shared>>
        tpu.wait_indirect_dma semaphore(%run_scoped3A : memref<!tpu.dma_semaphore, #tpu.memory_space<semaphore_mem>>) src(%dma_wait3A_101 : memref<128x128xf32, #tpu.memory_space<vmem>>) dst(%dma_wait3A_107 : memref<10240x128xf32, #tpu.memory_space<vmem_shared>>)
        tpu.yield
      }) : () -> ()
    }
    %mul3A_39 = arith.constant 1 : i32
    %mul3A_40 = arith.muli %mul3A_39, %select_n3A : i32
    %add3A_41 = arith.addi %select_n3A_10, %mul3A_40 : i32
    "tpu.region"() ({
      %run_scoped3A = tpu.sem_alloc : memref<!tpu.dma_semaphore, #tpu.memory_space<semaphore_mem>>
      %dma_start3A_63 = arith.constant 0 : i32
      %dma_start3A_64 = tpu.memref_slice %arg3[%add3A_41, %dma_start3A_63] : memref<2560x128xi32, #tpu.memory_space<hbm>> -> memref<40x128xi32, #tpu.memory_space<hbm>>
      %dma_start3A_65 = arith.constant 0 : i32
      %dma_start3A_66 = tpu.memref_slice %arg3[%add3A_41, %dma_start3A_65] : memref<2560x128xi32, #tpu.memory_space<hbm>> -> memref<40x128xi32, #tpu.memory_space<hbm>>
      tpu.enqueue_dma source(%dma_start3A_66 : memref<40x128xi32, #tpu.memory_space<hbm>>) target(%arg7 : memref<40x128xi32, #tpu.memory_space<vmem>>) target_semaphore(%run_scoped3A : memref<!tpu.dma_semaphore, #tpu.memory_space<semaphore_mem>>)
      %dma_wait3A = arith.constant 0 : i32
      %dma_wait3A_67 = tpu.memref_slice %arg3[%add3A_41, %dma_wait3A] : memref<2560x128xi32, #tpu.memory_space<hbm>> -> memref<40x128xi32, #tpu.memory_space<hbm>>
      %dma_wait3A_68 = arith.constant 0 : i32
      %dma_wait3A_69 = tpu.memref_slice %arg3[%add3A_41, %dma_wait3A_68] : memref<2560x128xi32, #tpu.memory_space<hbm>> -> memref<40x128xi32, #tpu.memory_space<hbm>>
      tpu.wait_dma2 semaphore(%run_scoped3A : memref<!tpu.dma_semaphore, #tpu.memory_space<semaphore_mem>>) src(%dma_wait3A_69 : memref<40x128xi32, #tpu.memory_space<hbm>>) dst(%arg7 : memref<40x128xi32, #tpu.memory_space<vmem>>)
      tpu.yield
    }) : () -> ()
    "tpu.region"() ({
      %run_scoped3A = tpu.sem_alloc : memref<!tpu.dma_semaphore, #tpu.memory_space<semaphore_mem>>
      %dma_start3A_63 = arith.constant 0 : i32
      %dma_start3A_64 = tpu.memref_slice %arg4[%add3A_41, %dma_start3A_63] : memref<2560x128xi32, #tpu.memory_space<hbm>> -> memref<40x128xi32, #tpu.memory_space<hbm>>
      %dma_start3A_65 = arith.constant 0 : i32
      %dma_start3A_66 = tpu.memref_slice %arg4[%add3A_41, %dma_start3A_65] : memref<2560x128xi32, #tpu.memory_space<hbm>> -> memref<40x128xi32, #tpu.memory_space<hbm>>
      tpu.enqueue_dma source(%dma_start3A_66 : memref<40x128xi32, #tpu.memory_space<hbm>>) target(%arg8 : memref<40x128xi32, #tpu.memory_space<vmem>>) target_semaphore(%run_scoped3A : memref<!tpu.dma_semaphore, #tpu.memory_space<semaphore_mem>>)
      %dma_wait3A = arith.constant 0 : i32
      %dma_wait3A_67 = tpu.memref_slice %arg4[%add3A_41, %dma_wait3A] : memref<2560x128xi32, #tpu.memory_space<hbm>> -> memref<40x128xi32, #tpu.memory_space<hbm>>
      %dma_wait3A_68 = arith.constant 0 : i32
      %dma_wait3A_69 = tpu.memref_slice %arg4[%add3A_41, %dma_wait3A_68] : memref<2560x128xi32, #tpu.memory_space<hbm>> -> memref<40x128xi32, #tpu.memory_space<hbm>>
      tpu.wait_dma2 semaphore(%run_scoped3A : memref<!tpu.dma_semaphore, #tpu.memory_space<semaphore_mem>>) src(%dma_wait3A_69 : memref<40x128xi32, #tpu.memory_space<hbm>>) dst(%arg8 : memref<40x128xi32, #tpu.memory_space<vmem>>)
      tpu.yield
    }) : () -> ()
    %dma_start3A_42 = arith.constant 0 : i32
    %dma_start3A_43 = arith.constant 0 : i32
    %dma_start3A_44 = arith.constant 0 : i32
    %dma_start3A_45 = tpu.memref_slice %arg9[%dma_start3A_43, %dma_start3A_44] : memref<256x128xf32, #tpu.memory_space<vmem>> -> memref<128x128xf32, #tpu.memory_space<vmem>>
    %dma_start3A_46 = arith.constant 0 : i32
    %dma_start3A_47 = tpu.memref_slice %arg7[%dma_start3A_42, %dma_start3A_46] : memref<40x128xi32, #tpu.memory_space<vmem>> -> memref<1x128xi32, #tpu.memory_space<vmem>>
    %dma_start3A_48 = tpu.memref_squeeze %dma_start3A_47 : memref<1x128xi32, #tpu.memory_space<vmem>> -> memref<128xi32, #tpu.memory_space<vmem>>
    %dma_start3A_49 = arith.constant 0 : i32
    %dma_start3A_50 = arith.constant 0 : i32
    %dma_start3A_51 = tpu.memref_slice %arg2[%dma_start3A_49, %dma_start3A_50] : memref<10240x128xf32, #tpu.memory_space<hbm>> -> memref<10240x128xf32, #tpu.memory_space<hbm>>
    tpu.enqueue_indirect_dma source(%dma_start3A_51 : memref<10240x128xf32, #tpu.memory_space<hbm>>) target(%dma_start3A_45 : memref<128x128xf32, #tpu.memory_space<vmem>>) offsets(%dma_start3A_48 : memref<128xi32, #tpu.memory_space<vmem>>) semaphore(%arg11 : memref<!tpu.dma_semaphore, #tpu.memory_space<semaphore_mem>>)
    %while3A_52 = arith.constant 0 : i32
    %while3A_53 = arith.constant 0 : i32
    %while3A_54 = arith.subi %select_n3A, %while3A_53 : i32
    %while3A_55 = arith.addi %while3A_53, %while3A_54 : i32
    %while3A_56 = arith.constant 1 : i32
    %while3A_57 = arith.divsi %while3A_54, %while3A_56 : i32
    %while3A_58 = arith.muli %while3A_57, %while3A_56 : i32
    %while3A_59 = arith.addi %while3A_53, %while3A_58 : i32
    %while3A_60 = arith.constant 1 : i32
    scf.for %while3A_63 = %while3A_53 to %while3A_59 step %while3A_60  : i32 {
      %jit3A_64 = arith.constant 2 : i32
      %eq3A_65 = arith.constant 0 : i32
      %eq3A_66 = arith.cmpi eq, %jit3A_64, %eq3A_65 : i32
      %jit3A_67 = arith.constant 1 : i32
      %select_n3A_68 = arith.select %eq3A_66, %jit3A_67, %jit3A_64 : i32
      %rem3A = arith.remsi %while3A_63, %select_n3A_68 : i32
      %ne3A_69 = arith.constant 0 : i32
      %ne3A_70 = arith.cmpi ne, %rem3A, %ne3A_69 : i32
      %lt3A = arith.constant 0 : i32
      %lt3A_71 = arith.cmpi slt, %rem3A, %lt3A : i32
      %lt3A_72 = arith.constant 0 : i32
      %lt3A_73 = arith.cmpi slt, %select_n3A_68, %lt3A_72 : i32
      %ne3A_74 = arith.xori %lt3A_71, %lt3A_73 : i1
      %and3A = arith.andi %ne3A_74, %ne3A_70 : i1
      %add3A_75 = arith.addi %rem3A, %select_n3A_68 : i32
      %select_n3A_76 = arith.select %and3A, %add3A_75, %rem3A : i32
      %mul3A_77 = arith.constant 128 : i32
      %mul3A_78 = arith.muli %select_n3A_76, %mul3A_77 : i32
      %dma_wait3A = arith.constant 0 : i32
      %dma_wait3A_79 = tpu.memref_slice %arg9[%mul3A_78, %dma_wait3A] : memref<256x128xf32, #tpu.memory_space<vmem>> -> memref<128x128xf32, #tpu.memory_space<vmem>>
      %dma_wait3A_80 = arith.constant 0 : i32
      %dma_wait3A_81 = tpu.memref_slice %arg7[%while3A_63, %dma_wait3A_80] : memref<40x128xi32, #tpu.memory_space<vmem>> -> memref<1x128xi32, #tpu.memory_space<vmem>>
      %dma_wait3A_82 = tpu.memref_squeeze %dma_wait3A_81 : memref<1x128xi32, #tpu.memory_space<vmem>> -> memref<128xi32, #tpu.memory_space<vmem>>
      %dma_wait3A_83 = arith.constant 0 : i32
      %dma_wait3A_84 = arith.constant 0 : i32
      %dma_wait3A_85 = tpu.memref_slice %arg2[%dma_wait3A_83, %dma_wait3A_84] : memref<10240x128xf32, #tpu.memory_space<hbm>> -> memref<10240x128xf32, #tpu.memory_space<hbm>>
      tpu.wait_indirect_dma semaphore(%arg11 : memref<!tpu.dma_semaphore, #tpu.memory_space<semaphore_mem>>) src(%dma_wait3A_85 : memref<10240x128xf32, #tpu.memory_space<hbm>>) dst(%dma_wait3A_79 : memref<128x128xf32, #tpu.memory_space<vmem>>)
      %add3A_86 = arith.constant 1 : i32
      %add3A_87 = arith.addi %while3A_63, %add3A_86 : i32
      %lt3A_88 = arith.cmpi slt, %add3A_87, %select_n3A : i32
      %convert_element_type3A_89 = arith.extui %lt3A_88 : i1 to i32
      %cond3A_90 = arith.constant 0 : i32
      %cond3A_91 = arith.cmpi ne, %convert_element_type3A_89, %cond3A_90 : i32
      scf.if %cond3A_91 {
        %add3A_92 = arith.constant 1 : i32
        %add3A_93 = arith.addi %while3A_63, %add3A_92 : i32
        %add3A_94 = arith.constant 1 : i32
        %add3A_95 = arith.addi %while3A_63, %add3A_94 : i32
        %jit3A_96 = arith.constant 2 : i32
        %eq3A_97 = arith.constant 0 : i32
        %eq3A_98 = arith.cmpi eq, %jit3A_96, %eq3A_97 : i32
        %jit3A_99 = arith.constant 1 : i32
        %select_n3A_100 = arith.select %eq3A_98, %jit3A_99, %jit3A_96 : i32
        %rem3A_101 = arith.remsi %add3A_95, %select_n3A_100 : i32
        %ne3A_102 = arith.constant 0 : i32
        %ne3A_103 = arith.cmpi ne, %rem3A_101, %ne3A_102 : i32
        %lt3A_104 = arith.constant 0 : i32
        %lt3A_105 = arith.cmpi slt, %rem3A_101, %lt3A_104 : i32
        %lt3A_106 = arith.constant 0 : i32
        %lt3A_107 = arith.cmpi slt, %select_n3A_100, %lt3A_106 : i32
        %ne3A_108 = arith.xori %lt3A_105, %lt3A_107 : i1
        %and3A_109 = arith.andi %ne3A_108, %ne3A_103 : i1
        %add3A_110 = arith.addi %rem3A_101, %select_n3A_100 : i32
        %select_n3A_111 = arith.select %and3A_109, %add3A_110, %rem3A_101 : i32
        %mul3A_112 = arith.constant 128 : i32
        %mul3A_113 = arith.muli %select_n3A_111, %mul3A_112 : i32
        %dma_start3A_114 = arith.constant 0 : i32
        %dma_start3A_115 = tpu.memref_slice %arg9[%mul3A_113, %dma_start3A_114] : memref<256x128xf32, #tpu.memory_space<vmem>> -> memref<128x128xf32, #tpu.memory_space<vmem>>
        %dma_start3A_116 = arith.constant 0 : i32
        %dma_start3A_117 = tpu.memref_slice %arg7[%add3A_93, %dma_start3A_116] : memref<40x128xi32, #tpu.memory_space<vmem>> -> memref<1x128xi32, #tpu.memory_space<vmem>>
        %dma_start3A_118 = tpu.memref_squeeze %dma_start3A_117 : memref<1x128xi32, #tpu.memory_space<vmem>> -> memref<128xi32, #tpu.memory_space<vmem>>
        %dma_start3A_119 = arith.constant 0 : i32
        %dma_start3A_120 = arith.constant 0 : i32
        %dma_start3A_121 = tpu.memref_slice %arg2[%dma_start3A_119, %dma_start3A_120] : memref<10240x128xf32, #tpu.memory_space<hbm>> -> memref<10240x128xf32, #tpu.memory_space<hbm>>
        tpu.enqueue_indirect_dma source(%dma_start3A_121 : memref<10240x128xf32, #tpu.memory_space<hbm>>) target(%dma_start3A_115 : memref<128x128xf32, #tpu.memory_space<vmem>>) offsets(%dma_start3A_118 : memref<128xi32, #tpu.memory_space<vmem>>) semaphore(%arg11 : memref<!tpu.dma_semaphore, #tpu.memory_space<semaphore_mem>>)
      } else {
      }
      "tpu.region"() ({
        %run_scoped3A = tpu.sem_alloc : memref<!tpu.dma_semaphore, #tpu.memory_space<semaphore_mem>>
        %dma_start3A_92 = arith.constant 0 : i32
        %dma_start3A_93 = tpu.memref_slice %arg9[%mul3A_78, %dma_start3A_92] : memref<256x128xf32, #tpu.memory_space<vmem>> -> memref<128x128xf32, #tpu.memory_space<vmem>>
        %dma_start3A_94 = arith.constant 0 : i32
        %dma_start3A_95 = tpu.memref_slice %arg8[%while3A_63, %dma_start3A_94] : memref<40x128xi32, #tpu.memory_space<vmem>> -> memref<1x128xi32, #tpu.memory_space<vmem>>
        %dma_start3A_96 = tpu.memref_squeeze %dma_start3A_95 : memref<1x128xi32, #tpu.memory_space<vmem>> -> memref<128xi32, #tpu.memory_space<vmem>>
        %dma_start3A_97 = arith.constant 0 : i32
        %dma_start3A_98 = arith.constant 0 : i32
        %dma_start3A_99 = tpu.memref_slice %arg10[%dma_start3A_97, %dma_start3A_98] : memref<10240x128xf32, #tpu.memory_space<vmem_shared>> -> memref<10240x128xf32, #tpu.memory_space<vmem_shared>>
        tpu.enqueue_indirect_dma source(%dma_start3A_93 : memref<128x128xf32, #tpu.memory_space<vmem>>) target(%dma_start3A_99 : memref<10240x128xf32, #tpu.memory_space<vmem_shared>>) offsets(%dma_start3A_96 : memref<128xi32, #tpu.memory_space<vmem>>) semaphore(%run_scoped3A : memref<!tpu.dma_semaphore, #tpu.memory_space<semaphore_mem>>) {add = true}
        %dma_wait3A_100 = arith.constant 0 : i32
        %dma_wait3A_101 = tpu.memref_slice %arg9[%mul3A_78, %dma_wait3A_100] : memref<256x128xf32, #tpu.memory_space<vmem>> -> memref<128x128xf32, #tpu.memory_space<vmem>>
        %dma_wait3A_102 = arith.constant 0 : i32
        %dma_wait3A_103 = tpu.memref_slice %arg8[%while3A_63, %dma_wait3A_102] : memref<40x128xi32, #tpu.memory_space<vmem>> -> memref<1x128xi32, #tpu.memory_space<vmem>>
        %dma_wait3A_104 = tpu.memref_squeeze %dma_wait3A_103 : memref<1x128xi32, #tpu.memory_space<vmem>> -> memref<128xi32, #tpu.memory_space<vmem>>
        %dma_wait3A_105 = arith.constant 0 : i32
        %dma_wait3A_106 = arith.constant 0 : i32
        %dma_wait3A_107 = tpu.memref_slice %arg10[%dma_wait3A_105, %dma_wait3A_106] : memref<10240x128xf32, #tpu.memory_space<vmem_shared>> -> memref<10240x128xf32, #tpu.memory_space<vmem_shared>>
        tpu.wait_indirect_dma semaphore(%run_scoped3A : memref<!tpu.dma_semaphore, #tpu.memory_space<semaphore_mem>>) src(%dma_wait3A_101 : memref<128x128xf32, #tpu.memory_space<vmem>>) dst(%dma_wait3A_107 : memref<10240x128xf32, #tpu.memory_space<vmem_shared>>)
        tpu.yield
      }) : () -> ()
    }
    %while3A_61 = arith.constant 1 : i32
    scf.for %while3A_63 = %while3A_59 to %while3A_55 step %while3A_61  : i32 {
      %jit3A_64 = arith.constant 2 : i32
      %eq3A_65 = arith.constant 0 : i32
      %eq3A_66 = arith.cmpi eq, %jit3A_64, %eq3A_65 : i32
      %jit3A_67 = arith.constant 1 : i32
      %select_n3A_68 = arith.select %eq3A_66, %jit3A_67, %jit3A_64 : i32
      %rem3A = arith.remsi %while3A_63, %select_n3A_68 : i32
      %ne3A_69 = arith.constant 0 : i32
      %ne3A_70 = arith.cmpi ne, %rem3A, %ne3A_69 : i32
      %lt3A = arith.constant 0 : i32
      %lt3A_71 = arith.cmpi slt, %rem3A, %lt3A : i32
      %lt3A_72 = arith.constant 0 : i32
      %lt3A_73 = arith.cmpi slt, %select_n3A_68, %lt3A_72 : i32
      %ne3A_74 = arith.xori %lt3A_71, %lt3A_73 : i1
      %and3A = arith.andi %ne3A_74, %ne3A_70 : i1
      %add3A_75 = arith.addi %rem3A, %select_n3A_68 : i32
      %select_n3A_76 = arith.select %and3A, %add3A_75, %rem3A : i32
      %mul3A_77 = arith.constant 128 : i32
      %mul3A_78 = arith.muli %select_n3A_76, %mul3A_77 : i32
      %dma_wait3A = arith.constant 0 : i32
      %dma_wait3A_79 = tpu.memref_slice %arg9[%mul3A_78, %dma_wait3A] : memref<256x128xf32, #tpu.memory_space<vmem>> -> memref<128x128xf32, #tpu.memory_space<vmem>>
      %dma_wait3A_80 = arith.constant 0 : i32
      %dma_wait3A_81 = tpu.memref_slice %arg7[%while3A_63, %dma_wait3A_80] : memref<40x128xi32, #tpu.memory_space<vmem>> -> memref<1x128xi32, #tpu.memory_space<vmem>>
      %dma_wait3A_82 = tpu.memref_squeeze %dma_wait3A_81 : memref<1x128xi32, #tpu.memory_space<vmem>> -> memref<128xi32, #tpu.memory_space<vmem>>
      %dma_wait3A_83 = arith.constant 0 : i32
      %dma_wait3A_84 = arith.constant 0 : i32
      %dma_wait3A_85 = tpu.memref_slice %arg2[%dma_wait3A_83, %dma_wait3A_84] : memref<10240x128xf32, #tpu.memory_space<hbm>> -> memref<10240x128xf32, #tpu.memory_space<hbm>>
      tpu.wait_indirect_dma semaphore(%arg11 : memref<!tpu.dma_semaphore, #tpu.memory_space<semaphore_mem>>) src(%dma_wait3A_85 : memref<10240x128xf32, #tpu.memory_space<hbm>>) dst(%dma_wait3A_79 : memref<128x128xf32, #tpu.memory_space<vmem>>)
      %add3A_86 = arith.constant 1 : i32
      %add3A_87 = arith.addi %while3A_63, %add3A_86 : i32
      %lt3A_88 = arith.cmpi slt, %add3A_87, %select_n3A : i32
      %convert_element_type3A_89 = arith.extui %lt3A_88 : i1 to i32
      %cond3A_90 = arith.constant 0 : i32
      %cond3A_91 = arith.cmpi ne, %convert_element_type3A_89, %cond3A_90 : i32
      scf.if %cond3A_91 {
        %add3A_92 = arith.constant 1 : i32
        %add3A_93 = arith.addi %while3A_63, %add3A_92 : i32
        %add3A_94 = arith.constant 1 : i32
        %add3A_95 = arith.addi %while3A_63, %add3A_94 : i32
        %jit3A_96 = arith.constant 2 : i32
        %eq3A_97 = arith.constant 0 : i32
        %eq3A_98 = arith.cmpi eq, %jit3A_96, %eq3A_97 : i32
        %jit3A_99 = arith.constant 1 : i32
        %select_n3A_100 = arith.select %eq3A_98, %jit3A_99, %jit3A_96 : i32
        %rem3A_101 = arith.remsi %add3A_95, %select_n3A_100 : i32
        %ne3A_102 = arith.constant 0 : i32
        %ne3A_103 = arith.cmpi ne, %rem3A_101, %ne3A_102 : i32
        %lt3A_104 = arith.constant 0 : i32
        %lt3A_105 = arith.cmpi slt, %rem3A_101, %lt3A_104 : i32
        %lt3A_106 = arith.constant 0 : i32
        %lt3A_107 = arith.cmpi slt, %select_n3A_100, %lt3A_106 : i32
        %ne3A_108 = arith.xori %lt3A_105, %lt3A_107 : i1
        %and3A_109 = arith.andi %ne3A_108, %ne3A_103 : i1
        %add3A_110 = arith.addi %rem3A_101, %select_n3A_100 : i32
        %select_n3A_111 = arith.select %and3A_109, %add3A_110, %rem3A_101 : i32
        %mul3A_112 = arith.constant 128 : i32
        %mul3A_113 = arith.muli %select_n3A_111, %mul3A_112 : i32
        %dma_start3A_114 = arith.constant 0 : i32
        %dma_start3A_115 = tpu.memref_slice %arg9[%mul3A_113, %dma_start3A_114] : memref<256x128xf32, #tpu.memory_space<vmem>> -> memref<128x128xf32, #tpu.memory_space<vmem>>
        %dma_start3A_116 = arith.constant 0 : i32
        %dma_start3A_117 = tpu.memref_slice %arg7[%add3A_93, %dma_start3A_116] : memref<40x128xi32, #tpu.memory_space<vmem>> -> memref<1x128xi32, #tpu.memory_space<vmem>>
        %dma_start3A_118 = tpu.memref_squeeze %dma_start3A_117 : memref<1x128xi32, #tpu.memory_space<vmem>> -> memref<128xi32, #tpu.memory_space<vmem>>
        %dma_start3A_119 = arith.constant 0 : i32
        %dma_start3A_120 = arith.constant 0 : i32
        %dma_start3A_121 = tpu.memref_slice %arg2[%dma_start3A_119, %dma_start3A_120] : memref<10240x128xf32, #tpu.memory_space<hbm>> -> memref<10240x128xf32, #tpu.memory_space<hbm>>
        tpu.enqueue_indirect_dma source(%dma_start3A_121 : memref<10240x128xf32, #tpu.memory_space<hbm>>) target(%dma_start3A_115 : memref<128x128xf32, #tpu.memory_space<vmem>>) offsets(%dma_start3A_118 : memref<128xi32, #tpu.memory_space<vmem>>) semaphore(%arg11 : memref<!tpu.dma_semaphore, #tpu.memory_space<semaphore_mem>>)
      } else {
      }
      "tpu.region"() ({
        %run_scoped3A = tpu.sem_alloc : memref<!tpu.dma_semaphore, #tpu.memory_space<semaphore_mem>>
        %dma_start3A_92 = arith.constant 0 : i32
        %dma_start3A_93 = tpu.memref_slice %arg9[%mul3A_78, %dma_start3A_92] : memref<256x128xf32, #tpu.memory_space<vmem>> -> memref<128x128xf32, #tpu.memory_space<vmem>>
        %dma_start3A_94 = arith.constant 0 : i32
        %dma_start3A_95 = tpu.memref_slice %arg8[%while3A_63, %dma_start3A_94] : memref<40x128xi32, #tpu.memory_space<vmem>> -> memref<1x128xi32, #tpu.memory_space<vmem>>
        %dma_start3A_96 = tpu.memref_squeeze %dma_start3A_95 : memref<1x128xi32, #tpu.memory_space<vmem>> -> memref<128xi32, #tpu.memory_space<vmem>>
        %dma_start3A_97 = arith.constant 0 : i32
        %dma_start3A_98 = arith.constant 0 : i32
        %dma_start3A_99 = tpu.memref_slice %arg10[%dma_start3A_97, %dma_start3A_98] : memref<10240x128xf32, #tpu.memory_space<vmem_shared>> -> memref<10240x128xf32, #tpu.memory_space<vmem_shared>>
        tpu.enqueue_indirect_dma source(%dma_start3A_93 : memref<128x128xf32, #tpu.memory_space<vmem>>) target(%dma_start3A_99 : memref<10240x128xf32, #tpu.memory_space<vmem_shared>>) offsets(%dma_start3A_96 : memref<128xi32, #tpu.memory_space<vmem>>) semaphore(%run_scoped3A : memref<!tpu.dma_semaphore, #tpu.memory_space<semaphore_mem>>) {add = true}
        %dma_wait3A_100 = arith.constant 0 : i32
        %dma_wait3A_101 = tpu.memref_slice %arg9[%mul3A_78, %dma_wait3A_100] : memref<256x128xf32, #tpu.memory_space<vmem>> -> memref<128x128xf32, #tpu.memory_space<vmem>>
        %dma_wait3A_102 = arith.constant 0 : i32
        %dma_wait3A_103 = tpu.memref_slice %arg8[%while3A_63, %dma_wait3A_102] : memref<40x128xi32, #tpu.memory_space<vmem>> -> memref<1x128xi32, #tpu.memory_space<vmem>>
        %dma_wait3A_104 = tpu.memref_squeeze %dma_wait3A_103 : memref<1x128xi32, #tpu.memory_space<vmem>> -> memref<128xi32, #tpu.memory_space<vmem>>
        %dma_wait3A_105 = arith.constant 0 : i32
        %dma_wait3A_106 = arith.constant 0 : i32
        %dma_wait3A_107 = tpu.memref_slice %arg10[%dma_wait3A_105, %dma_wait3A_106] : memref<10240x128xf32, #tpu.memory_space<vmem_shared>> -> memref<10240x128xf32, #tpu.memory_space<vmem_shared>>
        tpu.wait_indirect_dma semaphore(%run_scoped3A : memref<!tpu.dma_semaphore, #tpu.memory_space<semaphore_mem>>) src(%dma_wait3A_101 : memref<128x128xf32, #tpu.memory_space<vmem>>) dst(%dma_wait3A_107 : memref<10240x128xf32, #tpu.memory_space<vmem_shared>>)
        tpu.yield
      }) : () -> ()
    }
    %barrier3A_62 = arith.constant 0 : index
    tpu.barrier barrier_id(%barrier3A_62)
    "tpu.region"() ({
      %run_scoped3A = tpu.sem_alloc : memref<!tpu.dma_semaphore, #tpu.memory_space<semaphore_mem>>
      %dma_start3A_63 = arith.constant 0 : i32
      %dma_start3A_64 = tpu.memref_slice %arg6[%arg0, %mul3A_0, %dma_start3A_63] : memref<2x10240x128xf32, #tpu.memory_space<hbm>> -> memref<1x640x128xf32, #tpu.memory_space<hbm>>
      %dma_start3A_65 = tpu.memref_squeeze %dma_start3A_64 : memref<1x640x128xf32, #tpu.memory_space<hbm>> -> memref<640x128xf32, #tpu.memory_space<hbm>>
      %dma_start3A_66 = arith.constant 0 : i32
      %dma_start3A_67 = tpu.memref_slice %arg10[%mul3A_0, %dma_start3A_66] : memref<10240x128xf32, #tpu.memory_space<vmem_shared>> -> memref<640x128xf32, #tpu.memory_space<vmem_shared>>
      tpu.enqueue_dma source(%dma_start3A_67 : memref<640x128xf32, #tpu.memory_space<vmem_shared>>) target(%dma_start3A_65 : memref<640x128xf32, #tpu.memory_space<hbm>>) target_semaphore(%run_scoped3A : memref<!tpu.dma_semaphore, #tpu.memory_space<semaphore_mem>>)
      %dma_wait3A = arith.constant 0 : i32
      %dma_wait3A_68 = tpu.memref_slice %arg6[%arg0, %mul3A_0, %dma_wait3A] : memref<2x10240x128xf32, #tpu.memory_space<hbm>> -> memref<1x640x128xf32, #tpu.memory_space<hbm>>
      %dma_wait3A_69 = tpu.memref_squeeze %dma_wait3A_68 : memref<1x640x128xf32, #tpu.memory_space<hbm>> -> memref<640x128xf32, #tpu.memory_space<hbm>>
      %dma_wait3A_70 = arith.constant 0 : i32
      %dma_wait3A_71 = tpu.memref_slice %arg10[%mul3A_0, %dma_wait3A_70] : memref<10240x128xf32, #tpu.memory_space<vmem_shared>> -> memref<640x128xf32, #tpu.memory_space<vmem_shared>>
      tpu.wait_dma2 semaphore(%run_scoped3A : memref<!tpu.dma_semaphore, #tpu.memory_space<semaphore_mem>>) src(%dma_wait3A_71 : memref<640x128xf32, #tpu.memory_space<vmem_shared>>) dst(%dma_wait3A_69 : memref<640x128xf32, #tpu.memory_space<hbm>>)
      tpu.yield
    }) : () -> ()
    return
  }
}

#map = affine_map<(d0, d1) -> (0, 0)>
#map1 = affine_map<(d0, d1) -> (0, 0, 0)>
module attributes {stable_mosaic.version = 14 : i64} {
  func.func @_agg_body(%arg0: i32, %arg1: i32, %arg2: memref<10240x128xf32, #tpu.memory_space<hbm>>, %arg3: memref<2560x128xi32, #tpu.memory_space<hbm>>, %arg4: memref<2560x128xi32, #tpu.memory_space<hbm>>, %arg5: memref<10240x128xf32, #tpu.memory_space<hbm>>, %arg6: memref<2x10240x128xf32, #tpu.memory_space<hbm>>, %arg7: memref<40x128xi32, #tpu.memory_space<vmem>>, %arg8: memref<40x128xi32, #tpu.memory_space<vmem>>, %arg9: memref<256x128xf32, #tpu.memory_space<vmem>>, %arg10: memref<10240x128xf32, #tpu.memory_space<vmem_shared>>, %arg11: memref<!tpu.dma_semaphore, #tpu.memory_space<semaphore_mem>>) attributes {dimension_semantics = [#tpu.dimension_semantics<core_parallel>, #tpu.dimension_semantics<subcore_parallel>], iteration_bounds = array<i64: 2, 16>, scalar_prefetch = 0 : i64, scratch_operands = 5 : i64, tpu.core_type = #tpu.core_type<sc_vector_subcore>, window_params = [{transform_indices = #map}, {transform_indices = #map}, {transform_indices = #map}, {transform_indices = #map}, {transform_indices = #map1}]} {
    %mul3A = arith.constant 640 : i32
    %mul3A_0 = arith.muli %arg1, %mul3A : i32
    %eq3A = arith.constant 0 : i32
    %eq3A_1 = arith.cmpi eq, %arg0, %eq3A : i32
    %jit3A = arith.constant 40 : i32
    %jit3A_2 = arith.constant 40 : i32
    %select_n3A = arith.select %eq3A_1, %jit3A, %jit3A_2 : i32
    %eq3A_3 = arith.constant 0 : i32
    %eq3A_4 = arith.cmpi eq, %arg0, %eq3A_3 : i32
    %mul3A_5 = arith.constant 80 : i32
    %mul3A_6 = arith.muli %arg1, %mul3A_5 : i32
    %mul3A_7 = arith.constant 80 : i32
    %mul3A_8 = arith.muli %arg1, %mul3A_7 : i32
    %add3A = arith.constant 1280 : i32
    %add3A_9 = arith.addi %add3A, %mul3A_8 : i32
    %select_n3A_10 = arith.select %eq3A_4, %mul3A_6, %add3A_9 : i32
    %eq3A_11 = arith.constant 0 : i32
    %eq3A_12 = arith.cmpi eq, %arg0, %eq3A_11 : i32
    %convert_element_type3A = arith.extui %eq3A_12 : i1 to i32
    %cond3A = arith.constant 0 : i32
    %cond3A_13 = arith.cmpi ne, %convert_element_type3A, %cond3A : i32
    scf.if %cond3A_13 {
      "tpu.region"() ({
        %run_scoped3A = tpu.sem_alloc : memref<!tpu.dma_semaphore, #tpu.memory_space<semaphore_mem>>
        %dma_start3A_63 = arith.constant 0 : i32
        %dma_start3A_64 = tpu.memref_slice %arg10[%mul3A_0, %dma_start3A_63] : memref<10240x128xf32, #tpu.memory_space<vmem_shared>> -> memref<640x128xf32, #tpu.memory_space<vmem_shared>>
        %dma_start3A_65 = arith.constant 0 : i32
        %dma_start3A_66 = tpu.memref_slice %arg2[%mul3A_0, %dma_start3A_65] : memref<10240x128xf32, #tpu.memory_space<hbm>> -> memref<640x128xf32, #tpu.memory_space<hbm>>
        tpu.enqueue_dma source(%dma_start3A_66 : memref<640x128xf32, #tpu.memory_space<hbm>>) target(%dma_start3A_64 : memref<640x128xf32, #tpu.memory_space<vmem_shared>>) target_semaphore(%run_scoped3A : memref<!tpu.dma_semaphore, #tpu.memory_space<semaphore_mem>>)
        %dma_wait3A = arith.constant 0 : i32
        %dma_wait3A_67 = tpu.memref_slice %arg10[%mul3A_0, %dma_wait3A] : memref<10240x128xf32, #tpu.memory_space<vmem_shared>> -> memref<640x128xf32, #tpu.memory_space<vmem_shared>>
        %dma_wait3A_68 = arith.constant 0 : i32
        %dma_wait3A_69 = tpu.memref_slice %arg2[%mul3A_0, %dma_wait3A_68] : memref<10240x128xf32, #tpu.memory_space<hbm>> -> memref<640x128xf32, #tpu.memory_space<hbm>>
        tpu.wait_dma2 semaphore(%run_scoped3A : memref<!tpu.dma_semaphore, #tpu.memory_space<semaphore_mem>>) src(%dma_wait3A_69 : memref<640x128xf32, #tpu.memory_space<hbm>>) dst(%dma_wait3A_67 : memref<640x128xf32, #tpu.memory_space<vmem_shared>>)
        tpu.yield
      }) : () -> ()
    } else {
    }
    %ne3A = arith.constant 0 : i32
    %ne3A_14 = arith.cmpi ne, %arg0, %ne3A : i32
    %convert_element_type3A_15 = arith.extui %ne3A_14 : i1 to i32
    %cond3A_16 = arith.constant 0 : i32
    %cond3A_17 = arith.cmpi ne, %convert_element_type3A_15, %cond3A_16 : i32
    scf.if %cond3A_17 {
      "tpu.region"() ({
        %run_scoped3A = tpu.sem_alloc : memref<!tpu.dma_semaphore, #tpu.memory_space<semaphore_mem>>
        %dma_start3A_63 = arith.constant 0 : i32
        %dma_start3A_64 = tpu.memref_slice %arg10[%mul3A_0, %dma_start3A_63] : memref<10240x128xf32, #tpu.memory_space<vmem_shared>> -> memref<640x128xf32, #tpu.memory_space<vmem_shared>>
        %dma_start3A_65 = arith.constant 0 : i32
        %dma_start3A_66 = tpu.memref_slice %arg5[%mul3A_0, %dma_start3A_65] : memref<10240x128xf32, #tpu.memory_space<hbm>> -> memref<640x128xf32, #tpu.memory_space<hbm>>
        tpu.enqueue_dma source(%dma_start3A_66 : memref<640x128xf32, #tpu.memory_space<hbm>>) target(%dma_start3A_64 : memref<640x128xf32, #tpu.memory_space<vmem_shared>>) target_semaphore(%run_scoped3A : memref<!tpu.dma_semaphore, #tpu.memory_space<semaphore_mem>>)
        %dma_wait3A = arith.constant 0 : i32
        %dma_wait3A_67 = tpu.memref_slice %arg10[%mul3A_0, %dma_wait3A] : memref<10240x128xf32, #tpu.memory_space<vmem_shared>> -> memref<640x128xf32, #tpu.memory_space<vmem_shared>>
        %dma_wait3A_68 = arith.constant 0 : i32
        %dma_wait3A_69 = tpu.memref_slice %arg5[%mul3A_0, %dma_wait3A_68] : memref<10240x128xf32, #tpu.memory_space<hbm>> -> memref<640x128xf32, #tpu.memory_space<hbm>>
        tpu.wait_dma2 semaphore(%run_scoped3A : memref<!tpu.dma_semaphore, #tpu.memory_space<semaphore_mem>>) src(%dma_wait3A_69 : memref<640x128xf32, #tpu.memory_space<hbm>>) dst(%dma_wait3A_67 : memref<640x128xf32, #tpu.memory_space<vmem_shared>>)
        tpu.yield
      }) : () -> ()
    } else {
    }
    %barrier3A = arith.constant 0 : index
    tpu.barrier barrier_id(%barrier3A)
    %mul3A_18 = arith.constant 0 : i32
    %mul3A_19 = arith.muli %mul3A_18, %select_n3A : i32
    %add3A_20 = arith.addi %select_n3A_10, %mul3A_19 : i32
    "tpu.region"() ({
      %run_scoped3A = tpu.sem_alloc : memref<!tpu.dma_semaphore, #tpu.memory_space<semaphore_mem>>
      %dma_start3A_63 = arith.constant 0 : i32
      %dma_start3A_64 = tpu.memref_slice %arg3[%add3A_20, %dma_start3A_63] : memref<2560x128xi32, #tpu.memory_space<hbm>> -> memref<40x128xi32, #tpu.memory_space<hbm>>
      %dma_start3A_65 = arith.constant 0 : i32
      %dma_start3A_66 = tpu.memref_slice %arg3[%add3A_20, %dma_start3A_65] : memref<2560x128xi32, #tpu.memory_space<hbm>> -> memref<40x128xi32, #tpu.memory_space<hbm>>
      tpu.enqueue_dma source(%dma_start3A_66 : memref<40x128xi32, #tpu.memory_space<hbm>>) target(%arg7 : memref<40x128xi32, #tpu.memory_space<vmem>>) target_semaphore(%run_scoped3A : memref<!tpu.dma_semaphore, #tpu.memory_space<semaphore_mem>>)
      %dma_wait3A = arith.constant 0 : i32
      %dma_wait3A_67 = tpu.memref_slice %arg3[%add3A_20, %dma_wait3A] : memref<2560x128xi32, #tpu.memory_space<hbm>> -> memref<40x128xi32, #tpu.memory_space<hbm>>
      %dma_wait3A_68 = arith.constant 0 : i32
      %dma_wait3A_69 = tpu.memref_slice %arg3[%add3A_20, %dma_wait3A_68] : memref<2560x128xi32, #tpu.memory_space<hbm>> -> memref<40x128xi32, #tpu.memory_space<hbm>>
      tpu.wait_dma2 semaphore(%run_scoped3A : memref<!tpu.dma_semaphore, #tpu.memory_space<semaphore_mem>>) src(%dma_wait3A_69 : memref<40x128xi32, #tpu.memory_space<hbm>>) dst(%arg7 : memref<40x128xi32, #tpu.memory_space<vmem>>)
      tpu.yield
    }) : () -> ()
    "tpu.region"() ({
      %run_scoped3A = tpu.sem_alloc : memref<!tpu.dma_semaphore, #tpu.memory_space<semaphore_mem>>
      %dma_start3A_63 = arith.constant 0 : i32
      %dma_start3A_64 = tpu.memref_slice %arg4[%add3A_20, %dma_start3A_63] : memref<2560x128xi32, #tpu.memory_space<hbm>> -> memref<40x128xi32, #tpu.memory_space<hbm>>
      %dma_start3A_65 = arith.constant 0 : i32
      %dma_start3A_66 = tpu.memref_slice %arg4[%add3A_20, %dma_start3A_65] : memref<2560x128xi32, #tpu.memory_space<hbm>> -> memref<40x128xi32, #tpu.memory_space<hbm>>
      tpu.enqueue_dma source(%dma_start3A_66 : memref<40x128xi32, #tpu.memory_space<hbm>>) target(%arg8 : memref<40x128xi32, #tpu.memory_space<vmem>>) target_semaphore(%run_scoped3A : memref<!tpu.dma_semaphore, #tpu.memory_space<semaphore_mem>>)
      %dma_wait3A = arith.constant 0 : i32
      %dma_wait3A_67 = tpu.memref_slice %arg4[%add3A_20, %dma_wait3A] : memref<2560x128xi32, #tpu.memory_space<hbm>> -> memref<40x128xi32, #tpu.memory_space<hbm>>
      %dma_wait3A_68 = arith.constant 0 : i32
      %dma_wait3A_69 = tpu.memref_slice %arg4[%add3A_20, %dma_wait3A_68] : memref<2560x128xi32, #tpu.memory_space<hbm>> -> memref<40x128xi32, #tpu.memory_space<hbm>>
      tpu.wait_dma2 semaphore(%run_scoped3A : memref<!tpu.dma_semaphore, #tpu.memory_space<semaphore_mem>>) src(%dma_wait3A_69 : memref<40x128xi32, #tpu.memory_space<hbm>>) dst(%arg8 : memref<40x128xi32, #tpu.memory_space<vmem>>)
      tpu.yield
    }) : () -> ()
    %dma_start3A = arith.constant 0 : i32
    %dma_start3A_21 = arith.constant 0 : i32
    %dma_start3A_22 = arith.constant 0 : i32
    %dma_start3A_23 = tpu.memref_slice %arg9[%dma_start3A_21, %dma_start3A_22] : memref<256x128xf32, #tpu.memory_space<vmem>> -> memref<128x128xf32, #tpu.memory_space<vmem>>
    %dma_start3A_24 = arith.constant 0 : i32
    %dma_start3A_25 = tpu.memref_slice %arg7[%dma_start3A, %dma_start3A_24] : memref<40x128xi32, #tpu.memory_space<vmem>> -> memref<1x128xi32, #tpu.memory_space<vmem>>
    %dma_start3A_26 = tpu.memref_squeeze %dma_start3A_25 : memref<1x128xi32, #tpu.memory_space<vmem>> -> memref<128xi32, #tpu.memory_space<vmem>>
    %dma_start3A_27 = arith.constant 0 : i32
    %dma_start3A_28 = arith.constant 0 : i32
    %dma_start3A_29 = tpu.memref_slice %arg2[%dma_start3A_27, %dma_start3A_28] : memref<10240x128xf32, #tpu.memory_space<hbm>> -> memref<10240x128xf32, #tpu.memory_space<hbm>>
    tpu.enqueue_indirect_dma source(%dma_start3A_29 : memref<10240x128xf32, #tpu.memory_space<hbm>>) target(%dma_start3A_23 : memref<128x128xf32, #tpu.memory_space<vmem>>) offsets(%dma_start3A_26 : memref<128xi32, #tpu.memory_space<vmem>>) semaphore(%arg11 : memref<!tpu.dma_semaphore, #tpu.memory_space<semaphore_mem>>)
    %while3A = arith.constant 0 : i32
    %while3A_30 = arith.constant 0 : i32
    %while3A_31 = arith.subi %select_n3A, %while3A_30 : i32
    %while3A_32 = arith.addi %while3A_30, %while3A_31 : i32
    %while3A_33 = arith.constant 1 : i32
    %while3A_34 = arith.divsi %while3A_31, %while3A_33 : i32
    %while3A_35 = arith.muli %while3A_34, %while3A_33 : i32
    %while3A_36 = arith.addi %while3A_30, %while3A_35 : i32
    %while3A_37 = arith.constant 1 : i32
    scf.for %while3A_63 = %while3A_30 to %while3A_36 step %while3A_37  : i32 {
      %jit3A_64 = arith.constant 2 : i32
      %eq3A_65 = arith.constant 0 : i32
      %eq3A_66 = arith.cmpi eq, %jit3A_64, %eq3A_65 : i32
      %jit3A_67 = arith.constant 1 : i32
      %select_n3A_68 = arith.select %eq3A_66, %jit3A_67, %jit3A_64 : i32
      %rem3A = arith.remsi %while3A_63, %select_n3A_68 : i32
      %ne3A_69 = arith.constant 0 : i32
      %ne3A_70 = arith.cmpi ne, %rem3A, %ne3A_69 : i32
      %lt3A = arith.constant 0 : i32
      %lt3A_71 = arith.cmpi slt, %rem3A, %lt3A : i32
      %lt3A_72 = arith.constant 0 : i32
      %lt3A_73 = arith.cmpi slt, %select_n3A_68, %lt3A_72 : i32
      %ne3A_74 = arith.xori %lt3A_71, %lt3A_73 : i1
      %and3A = arith.andi %ne3A_74, %ne3A_70 : i1
      %add3A_75 = arith.addi %rem3A, %select_n3A_68 : i32
      %select_n3A_76 = arith.select %and3A, %add3A_75, %rem3A : i32
      %mul3A_77 = arith.constant 128 : i32
      %mul3A_78 = arith.muli %select_n3A_76, %mul3A_77 : i32
      %dma_wait3A = arith.constant 0 : i32
      %dma_wait3A_79 = tpu.memref_slice %arg9[%mul3A_78, %dma_wait3A] : memref<256x128xf32, #tpu.memory_space<vmem>> -> memref<128x128xf32, #tpu.memory_space<vmem>>
      %dma_wait3A_80 = arith.constant 0 : i32
      %dma_wait3A_81 = tpu.memref_slice %arg7[%while3A_63, %dma_wait3A_80] : memref<40x128xi32, #tpu.memory_space<vmem>> -> memref<1x128xi32, #tpu.memory_space<vmem>>
      %dma_wait3A_82 = tpu.memref_squeeze %dma_wait3A_81 : memref<1x128xi32, #tpu.memory_space<vmem>> -> memref<128xi32, #tpu.memory_space<vmem>>
      %dma_wait3A_83 = arith.constant 0 : i32
      %dma_wait3A_84 = arith.constant 0 : i32
      %dma_wait3A_85 = tpu.memref_slice %arg2[%dma_wait3A_83, %dma_wait3A_84] : memref<10240x128xf32, #tpu.memory_space<hbm>> -> memref<10240x128xf32, #tpu.memory_space<hbm>>
      tpu.wait_indirect_dma semaphore(%arg11 : memref<!tpu.dma_semaphore, #tpu.memory_space<semaphore_mem>>) src(%dma_wait3A_85 : memref<10240x128xf32, #tpu.memory_space<hbm>>) dst(%dma_wait3A_79 : memref<128x128xf32, #tpu.memory_space<vmem>>)
      %add3A_86 = arith.constant 1 : i32
      %add3A_87 = arith.addi %while3A_63, %add3A_86 : i32
      %lt3A_88 = arith.cmpi slt, %add3A_87, %select_n3A : i32
      %convert_element_type3A_89 = arith.extui %lt3A_88 : i1 to i32
      %cond3A_90 = arith.constant 0 : i32
      %cond3A_91 = arith.cmpi ne, %convert_element_type3A_89, %cond3A_90 : i32
      scf.if %cond3A_91 {
        %add3A_92 = arith.constant 1 : i32
        %add3A_93 = arith.addi %while3A_63, %add3A_92 : i32
        %add3A_94 = arith.constant 1 : i32
        %add3A_95 = arith.addi %while3A_63, %add3A_94 : i32
        %jit3A_96 = arith.constant 2 : i32
        %eq3A_97 = arith.constant 0 : i32
        %eq3A_98 = arith.cmpi eq, %jit3A_96, %eq3A_97 : i32
        %jit3A_99 = arith.constant 1 : i32
        %select_n3A_100 = arith.select %eq3A_98, %jit3A_99, %jit3A_96 : i32
        %rem3A_101 = arith.remsi %add3A_95, %select_n3A_100 : i32
        %ne3A_102 = arith.constant 0 : i32
        %ne3A_103 = arith.cmpi ne, %rem3A_101, %ne3A_102 : i32
        %lt3A_104 = arith.constant 0 : i32
        %lt3A_105 = arith.cmpi slt, %rem3A_101, %lt3A_104 : i32
        %lt3A_106 = arith.constant 0 : i32
        %lt3A_107 = arith.cmpi slt, %select_n3A_100, %lt3A_106 : i32
        %ne3A_108 = arith.xori %lt3A_105, %lt3A_107 : i1
        %and3A_109 = arith.andi %ne3A_108, %ne3A_103 : i1
        %add3A_110 = arith.addi %rem3A_101, %select_n3A_100 : i32
        %select_n3A_111 = arith.select %and3A_109, %add3A_110, %rem3A_101 : i32
        %mul3A_112 = arith.constant 128 : i32
        %mul3A_113 = arith.muli %select_n3A_111, %mul3A_112 : i32
        %dma_start3A_114 = arith.constant 0 : i32
        %dma_start3A_115 = tpu.memref_slice %arg9[%mul3A_113, %dma_start3A_114] : memref<256x128xf32, #tpu.memory_space<vmem>> -> memref<128x128xf32, #tpu.memory_space<vmem>>
        %dma_start3A_116 = arith.constant 0 : i32
        %dma_start3A_117 = tpu.memref_slice %arg7[%add3A_93, %dma_start3A_116] : memref<40x128xi32, #tpu.memory_space<vmem>> -> memref<1x128xi32, #tpu.memory_space<vmem>>
        %dma_start3A_118 = tpu.memref_squeeze %dma_start3A_117 : memref<1x128xi32, #tpu.memory_space<vmem>> -> memref<128xi32, #tpu.memory_space<vmem>>
        %dma_start3A_119 = arith.constant 0 : i32
        %dma_start3A_120 = arith.constant 0 : i32
        %dma_start3A_121 = tpu.memref_slice %arg2[%dma_start3A_119, %dma_start3A_120] : memref<10240x128xf32, #tpu.memory_space<hbm>> -> memref<10240x128xf32, #tpu.memory_space<hbm>>
        tpu.enqueue_indirect_dma source(%dma_start3A_121 : memref<10240x128xf32, #tpu.memory_space<hbm>>) target(%dma_start3A_115 : memref<128x128xf32, #tpu.memory_space<vmem>>) offsets(%dma_start3A_118 : memref<128xi32, #tpu.memory_space<vmem>>) semaphore(%arg11 : memref<!tpu.dma_semaphore, #tpu.memory_space<semaphore_mem>>)
      } else {
      }
      "tpu.region"() ({
        %run_scoped3A = tpu.sem_alloc : memref<!tpu.dma_semaphore, #tpu.memory_space<semaphore_mem>>
        %dma_start3A_92 = arith.constant 0 : i32
        %dma_start3A_93 = tpu.memref_slice %arg9[%mul3A_78, %dma_start3A_92] : memref<256x128xf32, #tpu.memory_space<vmem>> -> memref<128x128xf32, #tpu.memory_space<vmem>>
        %dma_start3A_94 = arith.constant 0 : i32
        %dma_start3A_95 = tpu.memref_slice %arg8[%while3A_63, %dma_start3A_94] : memref<40x128xi32, #tpu.memory_space<vmem>> -> memref<1x128xi32, #tpu.memory_space<vmem>>
        %dma_start3A_96 = tpu.memref_squeeze %dma_start3A_95 : memref<1x128xi32, #tpu.memory_space<vmem>> -> memref<128xi32, #tpu.memory_space<vmem>>
        %dma_start3A_97 = arith.constant 0 : i32
        %dma_start3A_98 = arith.constant 0 : i32
        %dma_start3A_99 = tpu.memref_slice %arg10[%dma_start3A_97, %dma_start3A_98] : memref<10240x128xf32, #tpu.memory_space<vmem_shared>> -> memref<10240x128xf32, #tpu.memory_space<vmem_shared>>
        tpu.enqueue_indirect_dma source(%dma_start3A_93 : memref<128x128xf32, #tpu.memory_space<vmem>>) target(%dma_start3A_99 : memref<10240x128xf32, #tpu.memory_space<vmem_shared>>) offsets(%dma_start3A_96 : memref<128xi32, #tpu.memory_space<vmem>>) semaphore(%run_scoped3A : memref<!tpu.dma_semaphore, #tpu.memory_space<semaphore_mem>>) {add = true}
        %dma_wait3A_100 = arith.constant 0 : i32
        %dma_wait3A_101 = tpu.memref_slice %arg9[%mul3A_78, %dma_wait3A_100] : memref<256x128xf32, #tpu.memory_space<vmem>> -> memref<128x128xf32, #tpu.memory_space<vmem>>
        %dma_wait3A_102 = arith.constant 0 : i32
        %dma_wait3A_103 = tpu.memref_slice %arg8[%while3A_63, %dma_wait3A_102] : memref<40x128xi32, #tpu.memory_space<vmem>> -> memref<1x128xi32, #tpu.memory_space<vmem>>
        %dma_wait3A_104 = tpu.memref_squeeze %dma_wait3A_103 : memref<1x128xi32, #tpu.memory_space<vmem>> -> memref<128xi32, #tpu.memory_space<vmem>>
        %dma_wait3A_105 = arith.constant 0 : i32
        %dma_wait3A_106 = arith.constant 0 : i32
        %dma_wait3A_107 = tpu.memref_slice %arg10[%dma_wait3A_105, %dma_wait3A_106] : memref<10240x128xf32, #tpu.memory_space<vmem_shared>> -> memref<10240x128xf32, #tpu.memory_space<vmem_shared>>
        tpu.wait_indirect_dma semaphore(%run_scoped3A : memref<!tpu.dma_semaphore, #tpu.memory_space<semaphore_mem>>) src(%dma_wait3A_101 : memref<128x128xf32, #tpu.memory_space<vmem>>) dst(%dma_wait3A_107 : memref<10240x128xf32, #tpu.memory_space<vmem_shared>>)
        tpu.yield
      }) : () -> ()
    }
    %while3A_38 = arith.constant 1 : i32
    scf.for %while3A_63 = %while3A_36 to %while3A_32 step %while3A_38  : i32 {
      %jit3A_64 = arith.constant 2 : i32
      %eq3A_65 = arith.constant 0 : i32
      %eq3A_66 = arith.cmpi eq, %jit3A_64, %eq3A_65 : i32
      %jit3A_67 = arith.constant 1 : i32
      %select_n3A_68 = arith.select %eq3A_66, %jit3A_67, %jit3A_64 : i32
      %rem3A = arith.remsi %while3A_63, %select_n3A_68 : i32
      %ne3A_69 = arith.constant 0 : i32
      %ne3A_70 = arith.cmpi ne, %rem3A, %ne3A_69 : i32
      %lt3A = arith.constant 0 : i32
      %lt3A_71 = arith.cmpi slt, %rem3A, %lt3A : i32
      %lt3A_72 = arith.constant 0 : i32
      %lt3A_73 = arith.cmpi slt, %select_n3A_68, %lt3A_72 : i32
      %ne3A_74 = arith.xori %lt3A_71, %lt3A_73 : i1
      %and3A = arith.andi %ne3A_74, %ne3A_70 : i1
      %add3A_75 = arith.addi %rem3A, %select_n3A_68 : i32
      %select_n3A_76 = arith.select %and3A, %add3A_75, %rem3A : i32
      %mul3A_77 = arith.constant 128 : i32
      %mul3A_78 = arith.muli %select_n3A_76, %mul3A_77 : i32
      %dma_wait3A = arith.constant 0 : i32
      %dma_wait3A_79 = tpu.memref_slice %arg9[%mul3A_78, %dma_wait3A] : memref<256x128xf32, #tpu.memory_space<vmem>> -> memref<128x128xf32, #tpu.memory_space<vmem>>
      %dma_wait3A_80 = arith.constant 0 : i32
      %dma_wait3A_81 = tpu.memref_slice %arg7[%while3A_63, %dma_wait3A_80] : memref<40x128xi32, #tpu.memory_space<vmem>> -> memref<1x128xi32, #tpu.memory_space<vmem>>
      %dma_wait3A_82 = tpu.memref_squeeze %dma_wait3A_81 : memref<1x128xi32, #tpu.memory_space<vmem>> -> memref<128xi32, #tpu.memory_space<vmem>>
      %dma_wait3A_83 = arith.constant 0 : i32
      %dma_wait3A_84 = arith.constant 0 : i32
      %dma_wait3A_85 = tpu.memref_slice %arg2[%dma_wait3A_83, %dma_wait3A_84] : memref<10240x128xf32, #tpu.memory_space<hbm>> -> memref<10240x128xf32, #tpu.memory_space<hbm>>
      tpu.wait_indirect_dma semaphore(%arg11 : memref<!tpu.dma_semaphore, #tpu.memory_space<semaphore_mem>>) src(%dma_wait3A_85 : memref<10240x128xf32, #tpu.memory_space<hbm>>) dst(%dma_wait3A_79 : memref<128x128xf32, #tpu.memory_space<vmem>>)
      %add3A_86 = arith.constant 1 : i32
      %add3A_87 = arith.addi %while3A_63, %add3A_86 : i32
      %lt3A_88 = arith.cmpi slt, %add3A_87, %select_n3A : i32
      %convert_element_type3A_89 = arith.extui %lt3A_88 : i1 to i32
      %cond3A_90 = arith.constant 0 : i32
      %cond3A_91 = arith.cmpi ne, %convert_element_type3A_89, %cond3A_90 : i32
      scf.if %cond3A_91 {
        %add3A_92 = arith.constant 1 : i32
        %add3A_93 = arith.addi %while3A_63, %add3A_92 : i32
        %add3A_94 = arith.constant 1 : i32
        %add3A_95 = arith.addi %while3A_63, %add3A_94 : i32
        %jit3A_96 = arith.constant 2 : i32
        %eq3A_97 = arith.constant 0 : i32
        %eq3A_98 = arith.cmpi eq, %jit3A_96, %eq3A_97 : i32
        %jit3A_99 = arith.constant 1 : i32
        %select_n3A_100 = arith.select %eq3A_98, %jit3A_99, %jit3A_96 : i32
        %rem3A_101 = arith.remsi %add3A_95, %select_n3A_100 : i32
        %ne3A_102 = arith.constant 0 : i32
        %ne3A_103 = arith.cmpi ne, %rem3A_101, %ne3A_102 : i32
        %lt3A_104 = arith.constant 0 : i32
        %lt3A_105 = arith.cmpi slt, %rem3A_101, %lt3A_104 : i32
        %lt3A_106 = arith.constant 0 : i32
        %lt3A_107 = arith.cmpi slt, %select_n3A_100, %lt3A_106 : i32
        %ne3A_108 = arith.xori %lt3A_105, %lt3A_107 : i1
        %and3A_109 = arith.andi %ne3A_108, %ne3A_103 : i1
        %add3A_110 = arith.addi %rem3A_101, %select_n3A_100 : i32
        %select_n3A_111 = arith.select %and3A_109, %add3A_110, %rem3A_101 : i32
        %mul3A_112 = arith.constant 128 : i32
        %mul3A_113 = arith.muli %select_n3A_111, %mul3A_112 : i32
        %dma_start3A_114 = arith.constant 0 : i32
        %dma_start3A_115 = tpu.memref_slice %arg9[%mul3A_113, %dma_start3A_114] : memref<256x128xf32, #tpu.memory_space<vmem>> -> memref<128x128xf32, #tpu.memory_space<vmem>>
        %dma_start3A_116 = arith.constant 0 : i32
        %dma_start3A_117 = tpu.memref_slice %arg7[%add3A_93, %dma_start3A_116] : memref<40x128xi32, #tpu.memory_space<vmem>> -> memref<1x128xi32, #tpu.memory_space<vmem>>
        %dma_start3A_118 = tpu.memref_squeeze %dma_start3A_117 : memref<1x128xi32, #tpu.memory_space<vmem>> -> memref<128xi32, #tpu.memory_space<vmem>>
        %dma_start3A_119 = arith.constant 0 : i32
        %dma_start3A_120 = arith.constant 0 : i32
        %dma_start3A_121 = tpu.memref_slice %arg2[%dma_start3A_119, %dma_start3A_120] : memref<10240x128xf32, #tpu.memory_space<hbm>> -> memref<10240x128xf32, #tpu.memory_space<hbm>>
        tpu.enqueue_indirect_dma source(%dma_start3A_121 : memref<10240x128xf32, #tpu.memory_space<hbm>>) target(%dma_start3A_115 : memref<128x128xf32, #tpu.memory_space<vmem>>) offsets(%dma_start3A_118 : memref<128xi32, #tpu.memory_space<vmem>>) semaphore(%arg11 : memref<!tpu.dma_semaphore, #tpu.memory_space<semaphore_mem>>)
      } else {
      }
      "tpu.region"() ({
        %run_scoped3A = tpu.sem_alloc : memref<!tpu.dma_semaphore, #tpu.memory_space<semaphore_mem>>
        %dma_start3A_92 = arith.constant 0 : i32
        %dma_start3A_93 = tpu.memref_slice %arg9[%mul3A_78, %dma_start3A_92] : memref<256x128xf32, #tpu.memory_space<vmem>> -> memref<128x128xf32, #tpu.memory_space<vmem>>
        %dma_start3A_94 = arith.constant 0 : i32
        %dma_start3A_95 = tpu.memref_slice %arg8[%while3A_63, %dma_start3A_94] : memref<40x128xi32, #tpu.memory_space<vmem>> -> memref<1x128xi32, #tpu.memory_space<vmem>>
        %dma_start3A_96 = tpu.memref_squeeze %dma_start3A_95 : memref<1x128xi32, #tpu.memory_space<vmem>> -> memref<128xi32, #tpu.memory_space<vmem>>
        %dma_start3A_97 = arith.constant 0 : i32
        %dma_start3A_98 = arith.constant 0 : i32
        %dma_start3A_99 = tpu.memref_slice %arg10[%dma_start3A_97, %dma_start3A_98] : memref<10240x128xf32, #tpu.memory_space<vmem_shared>> -> memref<10240x128xf32, #tpu.memory_space<vmem_shared>>
        tpu.enqueue_indirect_dma source(%dma_start3A_93 : memref<128x128xf32, #tpu.memory_space<vmem>>) target(%dma_start3A_99 : memref<10240x128xf32, #tpu.memory_space<vmem_shared>>) offsets(%dma_start3A_96 : memref<128xi32, #tpu.memory_space<vmem>>) semaphore(%run_scoped3A : memref<!tpu.dma_semaphore, #tpu.memory_space<semaphore_mem>>) {add = true}
        %dma_wait3A_100 = arith.constant 0 : i32
        %dma_wait3A_101 = tpu.memref_slice %arg9[%mul3A_78, %dma_wait3A_100] : memref<256x128xf32, #tpu.memory_space<vmem>> -> memref<128x128xf32, #tpu.memory_space<vmem>>
        %dma_wait3A_102 = arith.constant 0 : i32
        %dma_wait3A_103 = tpu.memref_slice %arg8[%while3A_63, %dma_wait3A_102] : memref<40x128xi32, #tpu.memory_space<vmem>> -> memref<1x128xi32, #tpu.memory_space<vmem>>
        %dma_wait3A_104 = tpu.memref_squeeze %dma_wait3A_103 : memref<1x128xi32, #tpu.memory_space<vmem>> -> memref<128xi32, #tpu.memory_space<vmem>>
        %dma_wait3A_105 = arith.constant 0 : i32
        %dma_wait3A_106 = arith.constant 0 : i32
        %dma_wait3A_107 = tpu.memref_slice %arg10[%dma_wait3A_105, %dma_wait3A_106] : memref<10240x128xf32, #tpu.memory_space<vmem_shared>> -> memref<10240x128xf32, #tpu.memory_space<vmem_shared>>
        tpu.wait_indirect_dma semaphore(%run_scoped3A : memref<!tpu.dma_semaphore, #tpu.memory_space<semaphore_mem>>) src(%dma_wait3A_101 : memref<128x128xf32, #tpu.memory_space<vmem>>) dst(%dma_wait3A_107 : memref<10240x128xf32, #tpu.memory_space<vmem_shared>>)
        tpu.yield
      }) : () -> ()
    }
    %mul3A_39 = arith.constant 1 : i32
    %mul3A_40 = arith.muli %mul3A_39, %select_n3A : i32
    %add3A_41 = arith.addi %select_n3A_10, %mul3A_40 : i32
    "tpu.region"() ({
      %run_scoped3A = tpu.sem_alloc : memref<!tpu.dma_semaphore, #tpu.memory_space<semaphore_mem>>
      %dma_start3A_63 = arith.constant 0 : i32
      %dma_start3A_64 = tpu.memref_slice %arg3[%add3A_41, %dma_start3A_63] : memref<2560x128xi32, #tpu.memory_space<hbm>> -> memref<40x128xi32, #tpu.memory_space<hbm>>
      %dma_start3A_65 = arith.constant 0 : i32
      %dma_start3A_66 = tpu.memref_slice %arg3[%add3A_41, %dma_start3A_65] : memref<2560x128xi32, #tpu.memory_space<hbm>> -> memref<40x128xi32, #tpu.memory_space<hbm>>
      tpu.enqueue_dma source(%dma_start3A_66 : memref<40x128xi32, #tpu.memory_space<hbm>>) target(%arg7 : memref<40x128xi32, #tpu.memory_space<vmem>>) target_semaphore(%run_scoped3A : memref<!tpu.dma_semaphore, #tpu.memory_space<semaphore_mem>>)
      %dma_wait3A = arith.constant 0 : i32
      %dma_wait3A_67 = tpu.memref_slice %arg3[%add3A_41, %dma_wait3A] : memref<2560x128xi32, #tpu.memory_space<hbm>> -> memref<40x128xi32, #tpu.memory_space<hbm>>
      %dma_wait3A_68 = arith.constant 0 : i32
      %dma_wait3A_69 = tpu.memref_slice %arg3[%add3A_41, %dma_wait3A_68] : memref<2560x128xi32, #tpu.memory_space<hbm>> -> memref<40x128xi32, #tpu.memory_space<hbm>>
      tpu.wait_dma2 semaphore(%run_scoped3A : memref<!tpu.dma_semaphore, #tpu.memory_space<semaphore_mem>>) src(%dma_wait3A_69 : memref<40x128xi32, #tpu.memory_space<hbm>>) dst(%arg7 : memref<40x128xi32, #tpu.memory_space<vmem>>)
      tpu.yield
    }) : () -> ()
    "tpu.region"() ({
      %run_scoped3A = tpu.sem_alloc : memref<!tpu.dma_semaphore, #tpu.memory_space<semaphore_mem>>
      %dma_start3A_63 = arith.constant 0 : i32
      %dma_start3A_64 = tpu.memref_slice %arg4[%add3A_41, %dma_start3A_63] : memref<2560x128xi32, #tpu.memory_space<hbm>> -> memref<40x128xi32, #tpu.memory_space<hbm>>
      %dma_start3A_65 = arith.constant 0 : i32
      %dma_start3A_66 = tpu.memref_slice %arg4[%add3A_41, %dma_start3A_65] : memref<2560x128xi32, #tpu.memory_space<hbm>> -> memref<40x128xi32, #tpu.memory_space<hbm>>
      tpu.enqueue_dma source(%dma_start3A_66 : memref<40x128xi32, #tpu.memory_space<hbm>>) target(%arg8 : memref<40x128xi32, #tpu.memory_space<vmem>>) target_semaphore(%run_scoped3A : memref<!tpu.dma_semaphore, #tpu.memory_space<semaphore_mem>>)
      %dma_wait3A = arith.constant 0 : i32
      %dma_wait3A_67 = tpu.memref_slice %arg4[%add3A_41, %dma_wait3A] : memref<2560x128xi32, #tpu.memory_space<hbm>> -> memref<40x128xi32, #tpu.memory_space<hbm>>
      %dma_wait3A_68 = arith.constant 0 : i32
      %dma_wait3A_69 = tpu.memref_slice %arg4[%add3A_41, %dma_wait3A_68] : memref<2560x128xi32, #tpu.memory_space<hbm>> -> memref<40x128xi32, #tpu.memory_space<hbm>>
      tpu.wait_dma2 semaphore(%run_scoped3A : memref<!tpu.dma_semaphore, #tpu.memory_space<semaphore_mem>>) src(%dma_wait3A_69 : memref<40x128xi32, #tpu.memory_space<hbm>>) dst(%arg8 : memref<40x128xi32, #tpu.memory_space<vmem>>)
      tpu.yield
    }) : () -> ()
    %dma_start3A_42 = arith.constant 0 : i32
    %dma_start3A_43 = arith.constant 0 : i32
    %dma_start3A_44 = arith.constant 0 : i32
    %dma_start3A_45 = tpu.memref_slice %arg9[%dma_start3A_43, %dma_start3A_44] : memref<256x128xf32, #tpu.memory_space<vmem>> -> memref<128x128xf32, #tpu.memory_space<vmem>>
    %dma_start3A_46 = arith.constant 0 : i32
    %dma_start3A_47 = tpu.memref_slice %arg7[%dma_start3A_42, %dma_start3A_46] : memref<40x128xi32, #tpu.memory_space<vmem>> -> memref<1x128xi32, #tpu.memory_space<vmem>>
    %dma_start3A_48 = tpu.memref_squeeze %dma_start3A_47 : memref<1x128xi32, #tpu.memory_space<vmem>> -> memref<128xi32, #tpu.memory_space<vmem>>
    %dma_start3A_49 = arith.constant 0 : i32
    %dma_start3A_50 = arith.constant 0 : i32
    %dma_start3A_51 = tpu.memref_slice %arg2[%dma_start3A_49, %dma_start3A_50] : memref<10240x128xf32, #tpu.memory_space<hbm>> -> memref<10240x128xf32, #tpu.memory_space<hbm>>
    tpu.enqueue_indirect_dma source(%dma_start3A_51 : memref<10240x128xf32, #tpu.memory_space<hbm>>) target(%dma_start3A_45 : memref<128x128xf32, #tpu.memory_space<vmem>>) offsets(%dma_start3A_48 : memref<128xi32, #tpu.memory_space<vmem>>) semaphore(%arg11 : memref<!tpu.dma_semaphore, #tpu.memory_space<semaphore_mem>>)
    %while3A_52 = arith.constant 0 : i32
    %while3A_53 = arith.constant 0 : i32
    %while3A_54 = arith.subi %select_n3A, %while3A_53 : i32
    %while3A_55 = arith.addi %while3A_53, %while3A_54 : i32
    %while3A_56 = arith.constant 1 : i32
    %while3A_57 = arith.divsi %while3A_54, %while3A_56 : i32
    %while3A_58 = arith.muli %while3A_57, %while3A_56 : i32
    %while3A_59 = arith.addi %while3A_53, %while3A_58 : i32
    %while3A_60 = arith.constant 1 : i32
    scf.for %while3A_63 = %while3A_53 to %while3A_59 step %while3A_60  : i32 {
      %jit3A_64 = arith.constant 2 : i32
      %eq3A_65 = arith.constant 0 : i32
      %eq3A_66 = arith.cmpi eq, %jit3A_64, %eq3A_65 : i32
      %jit3A_67 = arith.constant 1 : i32
      %select_n3A_68 = arith.select %eq3A_66, %jit3A_67, %jit3A_64 : i32
      %rem3A = arith.remsi %while3A_63, %select_n3A_68 : i32
      %ne3A_69 = arith.constant 0 : i32
      %ne3A_70 = arith.cmpi ne, %rem3A, %ne3A_69 : i32
      %lt3A = arith.constant 0 : i32
      %lt3A_71 = arith.cmpi slt, %rem3A, %lt3A : i32
      %lt3A_72 = arith.constant 0 : i32
      %lt3A_73 = arith.cmpi slt, %select_n3A_68, %lt3A_72 : i32
      %ne3A_74 = arith.xori %lt3A_71, %lt3A_73 : i1
      %and3A = arith.andi %ne3A_74, %ne3A_70 : i1
      %add3A_75 = arith.addi %rem3A, %select_n3A_68 : i32
      %select_n3A_76 = arith.select %and3A, %add3A_75, %rem3A : i32
      %mul3A_77 = arith.constant 128 : i32
      %mul3A_78 = arith.muli %select_n3A_76, %mul3A_77 : i32
      %dma_wait3A = arith.constant 0 : i32
      %dma_wait3A_79 = tpu.memref_slice %arg9[%mul3A_78, %dma_wait3A] : memref<256x128xf32, #tpu.memory_space<vmem>> -> memref<128x128xf32, #tpu.memory_space<vmem>>
      %dma_wait3A_80 = arith.constant 0 : i32
      %dma_wait3A_81 = tpu.memref_slice %arg7[%while3A_63, %dma_wait3A_80] : memref<40x128xi32, #tpu.memory_space<vmem>> -> memref<1x128xi32, #tpu.memory_space<vmem>>
      %dma_wait3A_82 = tpu.memref_squeeze %dma_wait3A_81 : memref<1x128xi32, #tpu.memory_space<vmem>> -> memref<128xi32, #tpu.memory_space<vmem>>
      %dma_wait3A_83 = arith.constant 0 : i32
      %dma_wait3A_84 = arith.constant 0 : i32
      %dma_wait3A_85 = tpu.memref_slice %arg2[%dma_wait3A_83, %dma_wait3A_84] : memref<10240x128xf32, #tpu.memory_space<hbm>> -> memref<10240x128xf32, #tpu.memory_space<hbm>>
      tpu.wait_indirect_dma semaphore(%arg11 : memref<!tpu.dma_semaphore, #tpu.memory_space<semaphore_mem>>) src(%dma_wait3A_85 : memref<10240x128xf32, #tpu.memory_space<hbm>>) dst(%dma_wait3A_79 : memref<128x128xf32, #tpu.memory_space<vmem>>)
      %add3A_86 = arith.constant 1 : i32
      %add3A_87 = arith.addi %while3A_63, %add3A_86 : i32
      %lt3A_88 = arith.cmpi slt, %add3A_87, %select_n3A : i32
      %convert_element_type3A_89 = arith.extui %lt3A_88 : i1 to i32
      %cond3A_90 = arith.constant 0 : i32
      %cond3A_91 = arith.cmpi ne, %convert_element_type3A_89, %cond3A_90 : i32
      scf.if %cond3A_91 {
        %add3A_92 = arith.constant 1 : i32
        %add3A_93 = arith.addi %while3A_63, %add3A_92 : i32
        %add3A_94 = arith.constant 1 : i32
        %add3A_95 = arith.addi %while3A_63, %add3A_94 : i32
        %jit3A_96 = arith.constant 2 : i32
        %eq3A_97 = arith.constant 0 : i32
        %eq3A_98 = arith.cmpi eq, %jit3A_96, %eq3A_97 : i32
        %jit3A_99 = arith.constant 1 : i32
        %select_n3A_100 = arith.select %eq3A_98, %jit3A_99, %jit3A_96 : i32
        %rem3A_101 = arith.remsi %add3A_95, %select_n3A_100 : i32
        %ne3A_102 = arith.constant 0 : i32
        %ne3A_103 = arith.cmpi ne, %rem3A_101, %ne3A_102 : i32
        %lt3A_104 = arith.constant 0 : i32
        %lt3A_105 = arith.cmpi slt, %rem3A_101, %lt3A_104 : i32
        %lt3A_106 = arith.constant 0 : i32
        %lt3A_107 = arith.cmpi slt, %select_n3A_100, %lt3A_106 : i32
        %ne3A_108 = arith.xori %lt3A_105, %lt3A_107 : i1
        %and3A_109 = arith.andi %ne3A_108, %ne3A_103 : i1
        %add3A_110 = arith.addi %rem3A_101, %select_n3A_100 : i32
        %select_n3A_111 = arith.select %and3A_109, %add3A_110, %rem3A_101 : i32
        %mul3A_112 = arith.constant 128 : i32
        %mul3A_113 = arith.muli %select_n3A_111, %mul3A_112 : i32
        %dma_start3A_114 = arith.constant 0 : i32
        %dma_start3A_115 = tpu.memref_slice %arg9[%mul3A_113, %dma_start3A_114] : memref<256x128xf32, #tpu.memory_space<vmem>> -> memref<128x128xf32, #tpu.memory_space<vmem>>
        %dma_start3A_116 = arith.constant 0 : i32
        %dma_start3A_117 = tpu.memref_slice %arg7[%add3A_93, %dma_start3A_116] : memref<40x128xi32, #tpu.memory_space<vmem>> -> memref<1x128xi32, #tpu.memory_space<vmem>>
        %dma_start3A_118 = tpu.memref_squeeze %dma_start3A_117 : memref<1x128xi32, #tpu.memory_space<vmem>> -> memref<128xi32, #tpu.memory_space<vmem>>
        %dma_start3A_119 = arith.constant 0 : i32
        %dma_start3A_120 = arith.constant 0 : i32
        %dma_start3A_121 = tpu.memref_slice %arg2[%dma_start3A_119, %dma_start3A_120] : memref<10240x128xf32, #tpu.memory_space<hbm>> -> memref<10240x128xf32, #tpu.memory_space<hbm>>
        tpu.enqueue_indirect_dma source(%dma_start3A_121 : memref<10240x128xf32, #tpu.memory_space<hbm>>) target(%dma_start3A_115 : memref<128x128xf32, #tpu.memory_space<vmem>>) offsets(%dma_start3A_118 : memref<128xi32, #tpu.memory_space<vmem>>) semaphore(%arg11 : memref<!tpu.dma_semaphore, #tpu.memory_space<semaphore_mem>>)
      } else {
      }
      "tpu.region"() ({
        %run_scoped3A = tpu.sem_alloc : memref<!tpu.dma_semaphore, #tpu.memory_space<semaphore_mem>>
        %dma_start3A_92 = arith.constant 0 : i32
        %dma_start3A_93 = tpu.memref_slice %arg9[%mul3A_78, %dma_start3A_92] : memref<256x128xf32, #tpu.memory_space<vmem>> -> memref<128x128xf32, #tpu.memory_space<vmem>>
        %dma_start3A_94 = arith.constant 0 : i32
        %dma_start3A_95 = tpu.memref_slice %arg8[%while3A_63, %dma_start3A_94] : memref<40x128xi32, #tpu.memory_space<vmem>> -> memref<1x128xi32, #tpu.memory_space<vmem>>
        %dma_start3A_96 = tpu.memref_squeeze %dma_start3A_95 : memref<1x128xi32, #tpu.memory_space<vmem>> -> memref<128xi32, #tpu.memory_space<vmem>>
        %dma_start3A_97 = arith.constant 0 : i32
        %dma_start3A_98 = arith.constant 0 : i32
        %dma_start3A_99 = tpu.memref_slice %arg10[%dma_start3A_97, %dma_start3A_98] : memref<10240x128xf32, #tpu.memory_space<vmem_shared>> -> memref<10240x128xf32, #tpu.memory_space<vmem_shared>>
        tpu.enqueue_indirect_dma source(%dma_start3A_93 : memref<128x128xf32, #tpu.memory_space<vmem>>) target(%dma_start3A_99 : memref<10240x128xf32, #tpu.memory_space<vmem_shared>>) offsets(%dma_start3A_96 : memref<128xi32, #tpu.memory_space<vmem>>) semaphore(%run_scoped3A : memref<!tpu.dma_semaphore, #tpu.memory_space<semaphore_mem>>) {add = true}
        %dma_wait3A_100 = arith.constant 0 : i32
        %dma_wait3A_101 = tpu.memref_slice %arg9[%mul3A_78, %dma_wait3A_100] : memref<256x128xf32, #tpu.memory_space<vmem>> -> memref<128x128xf32, #tpu.memory_space<vmem>>
        %dma_wait3A_102 = arith.constant 0 : i32
        %dma_wait3A_103 = tpu.memref_slice %arg8[%while3A_63, %dma_wait3A_102] : memref<40x128xi32, #tpu.memory_space<vmem>> -> memref<1x128xi32, #tpu.memory_space<vmem>>
        %dma_wait3A_104 = tpu.memref_squeeze %dma_wait3A_103 : memref<1x128xi32, #tpu.memory_space<vmem>> -> memref<128xi32, #tpu.memory_space<vmem>>
        %dma_wait3A_105 = arith.constant 0 : i32
        %dma_wait3A_106 = arith.constant 0 : i32
        %dma_wait3A_107 = tpu.memref_slice %arg10[%dma_wait3A_105, %dma_wait3A_106] : memref<10240x128xf32, #tpu.memory_space<vmem_shared>> -> memref<10240x128xf32, #tpu.memory_space<vmem_shared>>
        tpu.wait_indirect_dma semaphore(%run_scoped3A : memref<!tpu.dma_semaphore, #tpu.memory_space<semaphore_mem>>) src(%dma_wait3A_101 : memref<128x128xf32, #tpu.memory_space<vmem>>) dst(%dma_wait3A_107 : memref<10240x128xf32, #tpu.memory_space<vmem_shared>>)
        tpu.yield
      }) : () -> ()
    }
    %while3A_61 = arith.constant 1 : i32
    scf.for %while3A_63 = %while3A_59 to %while3A_55 step %while3A_61  : i32 {
      %jit3A_64 = arith.constant 2 : i32
      %eq3A_65 = arith.constant 0 : i32
      %eq3A_66 = arith.cmpi eq, %jit3A_64, %eq3A_65 : i32
      %jit3A_67 = arith.constant 1 : i32
      %select_n3A_68 = arith.select %eq3A_66, %jit3A_67, %jit3A_64 : i32
      %rem3A = arith.remsi %while3A_63, %select_n3A_68 : i32
      %ne3A_69 = arith.constant 0 : i32
      %ne3A_70 = arith.cmpi ne, %rem3A, %ne3A_69 : i32
      %lt3A = arith.constant 0 : i32
      %lt3A_71 = arith.cmpi slt, %rem3A, %lt3A : i32
      %lt3A_72 = arith.constant 0 : i32
      %lt3A_73 = arith.cmpi slt, %select_n3A_68, %lt3A_72 : i32
      %ne3A_74 = arith.xori %lt3A_71, %lt3A_73 : i1
      %and3A = arith.andi %ne3A_74, %ne3A_70 : i1
      %add3A_75 = arith.addi %rem3A, %select_n3A_68 : i32
      %select_n3A_76 = arith.select %and3A, %add3A_75, %rem3A : i32
      %mul3A_77 = arith.constant 128 : i32
      %mul3A_78 = arith.muli %select_n3A_76, %mul3A_77 : i32
      %dma_wait3A = arith.constant 0 : i32
      %dma_wait3A_79 = tpu.memref_slice %arg9[%mul3A_78, %dma_wait3A] : memref<256x128xf32, #tpu.memory_space<vmem>> -> memref<128x128xf32, #tpu.memory_space<vmem>>
      %dma_wait3A_80 = arith.constant 0 : i32
      %dma_wait3A_81 = tpu.memref_slice %arg7[%while3A_63, %dma_wait3A_80] : memref<40x128xi32, #tpu.memory_space<vmem>> -> memref<1x128xi32, #tpu.memory_space<vmem>>
      %dma_wait3A_82 = tpu.memref_squeeze %dma_wait3A_81 : memref<1x128xi32, #tpu.memory_space<vmem>> -> memref<128xi32, #tpu.memory_space<vmem>>
      %dma_wait3A_83 = arith.constant 0 : i32
      %dma_wait3A_84 = arith.constant 0 : i32
      %dma_wait3A_85 = tpu.memref_slice %arg2[%dma_wait3A_83, %dma_wait3A_84] : memref<10240x128xf32, #tpu.memory_space<hbm>> -> memref<10240x128xf32, #tpu.memory_space<hbm>>
      tpu.wait_indirect_dma semaphore(%arg11 : memref<!tpu.dma_semaphore, #tpu.memory_space<semaphore_mem>>) src(%dma_wait3A_85 : memref<10240x128xf32, #tpu.memory_space<hbm>>) dst(%dma_wait3A_79 : memref<128x128xf32, #tpu.memory_space<vmem>>)
      %add3A_86 = arith.constant 1 : i32
      %add3A_87 = arith.addi %while3A_63, %add3A_86 : i32
      %lt3A_88 = arith.cmpi slt, %add3A_87, %select_n3A : i32
      %convert_element_type3A_89 = arith.extui %lt3A_88 : i1 to i32
      %cond3A_90 = arith.constant 0 : i32
      %cond3A_91 = arith.cmpi ne, %convert_element_type3A_89, %cond3A_90 : i32
      scf.if %cond3A_91 {
        %add3A_92 = arith.constant 1 : i32
        %add3A_93 = arith.addi %while3A_63, %add3A_92 : i32
        %add3A_94 = arith.constant 1 : i32
        %add3A_95 = arith.addi %while3A_63, %add3A_94 : i32
        %jit3A_96 = arith.constant 2 : i32
        %eq3A_97 = arith.constant 0 : i32
        %eq3A_98 = arith.cmpi eq, %jit3A_96, %eq3A_97 : i32
        %jit3A_99 = arith.constant 1 : i32
        %select_n3A_100 = arith.select %eq3A_98, %jit3A_99, %jit3A_96 : i32
        %rem3A_101 = arith.remsi %add3A_95, %select_n3A_100 : i32
        %ne3A_102 = arith.constant 0 : i32
        %ne3A_103 = arith.cmpi ne, %rem3A_101, %ne3A_102 : i32
        %lt3A_104 = arith.constant 0 : i32
        %lt3A_105 = arith.cmpi slt, %rem3A_101, %lt3A_104 : i32
        %lt3A_106 = arith.constant 0 : i32
        %lt3A_107 = arith.cmpi slt, %select_n3A_100, %lt3A_106 : i32
        %ne3A_108 = arith.xori %lt3A_105, %lt3A_107 : i1
        %and3A_109 = arith.andi %ne3A_108, %ne3A_103 : i1
        %add3A_110 = arith.addi %rem3A_101, %select_n3A_100 : i32
        %select_n3A_111 = arith.select %and3A_109, %add3A_110, %rem3A_101 : i32
        %mul3A_112 = arith.constant 128 : i32
        %mul3A_113 = arith.muli %select_n3A_111, %mul3A_112 : i32
        %dma_start3A_114 = arith.constant 0 : i32
        %dma_start3A_115 = tpu.memref_slice %arg9[%mul3A_113, %dma_start3A_114] : memref<256x128xf32, #tpu.memory_space<vmem>> -> memref<128x128xf32, #tpu.memory_space<vmem>>
        %dma_start3A_116 = arith.constant 0 : i32
        %dma_start3A_117 = tpu.memref_slice %arg7[%add3A_93, %dma_start3A_116] : memref<40x128xi32, #tpu.memory_space<vmem>> -> memref<1x128xi32, #tpu.memory_space<vmem>>
        %dma_start3A_118 = tpu.memref_squeeze %dma_start3A_117 : memref<1x128xi32, #tpu.memory_space<vmem>> -> memref<128xi32, #tpu.memory_space<vmem>>
        %dma_start3A_119 = arith.constant 0 : i32
        %dma_start3A_120 = arith.constant 0 : i32
        %dma_start3A_121 = tpu.memref_slice %arg2[%dma_start3A_119, %dma_start3A_120] : memref<10240x128xf32, #tpu.memory_space<hbm>> -> memref<10240x128xf32, #tpu.memory_space<hbm>>
        tpu.enqueue_indirect_dma source(%dma_start3A_121 : memref<10240x128xf32, #tpu.memory_space<hbm>>) target(%dma_start3A_115 : memref<128x128xf32, #tpu.memory_space<vmem>>) offsets(%dma_start3A_118 : memref<128xi32, #tpu.memory_space<vmem>>) semaphore(%arg11 : memref<!tpu.dma_semaphore, #tpu.memory_space<semaphore_mem>>)
      } else {
      }
      "tpu.region"() ({
        %run_scoped3A = tpu.sem_alloc : memref<!tpu.dma_semaphore, #tpu.memory_space<semaphore_mem>>
        %dma_start3A_92 = arith.constant 0 : i32
        %dma_start3A_93 = tpu.memref_slice %arg9[%mul3A_78, %dma_start3A_92] : memref<256x128xf32, #tpu.memory_space<vmem>> -> memref<128x128xf32, #tpu.memory_space<vmem>>
        %dma_start3A_94 = arith.constant 0 : i32
        %dma_start3A_95 = tpu.memref_slice %arg8[%while3A_63, %dma_start3A_94] : memref<40x128xi32, #tpu.memory_space<vmem>> -> memref<1x128xi32, #tpu.memory_space<vmem>>
        %dma_start3A_96 = tpu.memref_squeeze %dma_start3A_95 : memref<1x128xi32, #tpu.memory_space<vmem>> -> memref<128xi32, #tpu.memory_space<vmem>>
        %dma_start3A_97 = arith.constant 0 : i32
        %dma_start3A_98 = arith.constant 0 : i32
        %dma_start3A_99 = tpu.memref_slice %arg10[%dma_start3A_97, %dma_start3A_98] : memref<10240x128xf32, #tpu.memory_space<vmem_shared>> -> memref<10240x128xf32, #tpu.memory_space<vmem_shared>>
        tpu.enqueue_indirect_dma source(%dma_start3A_93 : memref<128x128xf32, #tpu.memory_space<vmem>>) target(%dma_start3A_99 : memref<10240x128xf32, #tpu.memory_space<vmem_shared>>) offsets(%dma_start3A_96 : memref<128xi32, #tpu.memory_space<vmem>>) semaphore(%run_scoped3A : memref<!tpu.dma_semaphore, #tpu.memory_space<semaphore_mem>>) {add = true}
        %dma_wait3A_100 = arith.constant 0 : i32
        %dma_wait3A_101 = tpu.memref_slice %arg9[%mul3A_78, %dma_wait3A_100] : memref<256x128xf32, #tpu.memory_space<vmem>> -> memref<128x128xf32, #tpu.memory_space<vmem>>
        %dma_wait3A_102 = arith.constant 0 : i32
        %dma_wait3A_103 = tpu.memref_slice %arg8[%while3A_63, %dma_wait3A_102] : memref<40x128xi32, #tpu.memory_space<vmem>> -> memref<1x128xi32, #tpu.memory_space<vmem>>
        %dma_wait3A_104 = tpu.memref_squeeze %dma_wait3A_103 : memref<1x128xi32, #tpu.memory_space<vmem>> -> memref<128xi32, #tpu.memory_space<vmem>>
        %dma_wait3A_105 = arith.constant 0 : i32
        %dma_wait3A_106 = arith.constant 0 : i32
        %dma_wait3A_107 = tpu.memref_slice %arg10[%dma_wait3A_105, %dma_wait3A_106] : memref<10240x128xf32, #tpu.memory_space<vmem_shared>> -> memref<10240x128xf32, #tpu.memory_space<vmem_shared>>
        tpu.wait_indirect_dma semaphore(%run_scoped3A : memref<!tpu.dma_semaphore, #tpu.memory_space<semaphore_mem>>) src(%dma_wait3A_101 : memref<128x128xf32, #tpu.memory_space<vmem>>) dst(%dma_wait3A_107 : memref<10240x128xf32, #tpu.memory_space<vmem_shared>>)
        tpu.yield
      }) : () -> ()
    }
    %barrier3A_62 = arith.constant 0 : index
    tpu.barrier barrier_id(%barrier3A_62)
    "tpu.region"() ({
      %run_scoped3A = tpu.sem_alloc : memref<!tpu.dma_semaphore, #tpu.memory_space<semaphore_mem>>
      %dma_start3A_63 = arith.constant 0 : i32
      %dma_start3A_64 = tpu.memref_slice %arg6[%arg0, %mul3A_0, %dma_start3A_63] : memref<2x10240x128xf32, #tpu.memory_space<hbm>> -> memref<1x640x128xf32, #tpu.memory_space<hbm>>
      %dma_start3A_65 = tpu.memref_squeeze %dma_start3A_64 : memref<1x640x128xf32, #tpu.memory_space<hbm>> -> memref<640x128xf32, #tpu.memory_space<hbm>>
      %dma_start3A_66 = arith.constant 0 : i32
      %dma_start3A_67 = tpu.memref_slice %arg10[%mul3A_0, %dma_start3A_66] : memref<10240x128xf32, #tpu.memory_space<vmem_shared>> -> memref<640x128xf32, #tpu.memory_space<vmem_shared>>
      tpu.enqueue_dma source(%dma_start3A_67 : memref<640x128xf32, #tpu.memory_space<vmem_shared>>) target(%dma_start3A_65 : memref<640x128xf32, #tpu.memory_space<hbm>>) target_semaphore(%run_scoped3A : memref<!tpu.dma_semaphore, #tpu.memory_space<semaphore_mem>>)
      %dma_wait3A = arith.constant 0 : i32
      %dma_wait3A_68 = tpu.memref_slice %arg6[%arg0, %mul3A_0, %dma_wait3A] : memref<2x10240x128xf32, #tpu.memory_space<hbm>> -> memref<1x640x128xf32, #tpu.memory_space<hbm>>
      %dma_wait3A_69 = tpu.memref_squeeze %dma_wait3A_68 : memref<1x640x128xf32, #tpu.memory_space<hbm>> -> memref<640x128xf32, #tpu.memory_space<hbm>>
      %dma_wait3A_70 = arith.constant 0 : i32
      %dma_wait3A_71 = tpu.memref_slice %arg10[%mul3A_0, %dma_wait3A_70] : memref<10240x128xf32, #tpu.memory_space<vmem_shared>> -> memref<640x128xf32, #tpu.memory_space<vmem_shared>>
      tpu.wait_dma2 semaphore(%run_scoped3A : memref<!tpu.dma_semaphore, #tpu.memory_space<semaphore_mem>>) src(%dma_wait3A_71 : memref<640x128xf32, #tpu.memory_space<vmem_shared>>) dst(%dma_wait3A_69 : memref<640x128xf32, #tpu.memory_space<hbm>>)
      tpu.yield
    }) : () -> ()
    return
  }
}

module attributes {stable_mosaic.version = 14 : i64} {
  func.func @_tc1a_body(%arg0: i32, %arg1: memref<512x128xf32, #tpu.memory_space<vmem>>, %arg2: memref<128x128xf32, #tpu.memory_space<vmem>>, %arg3: memref<512x128xf32, #tpu.memory_space<vmem>>) attributes {dimension_semantics = [#tpu.dimension_semantics<arbitrary>], iteration_bounds = array<i64: 20>, scalar_prefetch = 0 : i64, scratch_operands = 0 : i64, tpu.core_type = #tpu.core_type<tc>, window_params = [{transform_indices = @transform_0, window_bounds = array<i64: 512, 128>}, {pipeline_mode = #tpu.pipeline_mode<synchronous>, transform_indices = @transform_1, window_bounds = array<i64: 128, 128>}, {transform_indices = @transform_2, window_bounds = array<i64: 512, 128>}]} {
    %get3A = arith.constant 0 : index
    %get3A_0 = arith.constant 0 : index
    %get3A_1 = vector.load %arg1[%get3A, %get3A_0] : memref<512x128xf32, #tpu.memory_space<vmem>>, vector<512x128xf32>
    %get3A_2 = arith.constant 0 : index
    %get3A_3 = arith.constant 0 : index
    %get3A_4 = vector.load %arg2[%get3A_2, %get3A_3] : memref<128x128xf32, #tpu.memory_space<vmem>>, vector<128x128xf32>
    %dot_general3A = arith.constant dense<0.000000e+00> : vector<512x128xf32>
    %dot_general3A_5 = tpu.matmul %get3A_1, %get3A_4, %dot_general3A {dimension_numbers = #tpu.dot_dimension_numbers<[1], [0], [0], [1], [0, 0, 1, 1], [], []>, transpose_lhs_hint = false} : vector<512x128xf32>, vector<128x128xf32>, vector<512x128xf32> -> vector<512x128xf32>
    %swap3A = arith.constant 0 : index
    %swap3A_6 = arith.constant 0 : index
    %swap3A_7 = vector.load %arg3[%swap3A, %swap3A_6] : memref<512x128xf32, #tpu.memory_space<vmem>>, vector<512x128xf32>
    tpu.vector_store %arg3[%swap3A, %swap3A_6], %dot_general3A_5 {strides = array<i32>} : memref<512x128xf32, #tpu.memory_space<vmem>>, vector<512x128xf32>,
    return
  }
  func.func @transform_0(%arg0: i32) -> (i32, i32) {
    %c0_i32 = arith.constant 0 : i32
    %c0_i32_0 = arith.constant 0 : i32
    return %arg0, %c0_i32 : i32, i32
  }
  func.func @transform_1(%arg0: i32) -> (i32, i32) {
    %c0_i32 = arith.constant 0 : i32
    %c0_i32_0 = arith.constant 0 : i32
    %c0_i32_1 = arith.constant 0 : i32
    return %c0_i32, %c0_i32_0 : i32, i32
  }
  func.func @transform_2(%arg0: i32) -> (i32, i32) {
    %c0_i32 = arith.constant 0 : i32
    %c0_i32_0 = arith.constant 0 : i32
    return %arg0, %c0_i32 : i32, i32
  }
}

module attributes {stable_mosaic.version = 14 : i64} {
  func.func @_tc1b_body(%arg0: i32, %arg1: memref<2x512x128xf32, #tpu.memory_space<vmem>>, %arg2: memref<512x128xf32, #tpu.memory_space<vmem>>, %arg3: memref<512x128xf32, #tpu.memory_space<vmem>>) attributes {dimension_semantics = [#tpu.dimension_semantics<arbitrary>], iteration_bounds = array<i64: 20>, scalar_prefetch = 0 : i64, scratch_operands = 0 : i64, tpu.core_type = #tpu.core_type<tc>, window_params = [{transform_indices = @transform_0, window_bounds = array<i64: 2, 512, 128>}, {transform_indices = @transform_1, window_bounds = array<i64: 512, 128>}, {transform_indices = @transform_2, window_bounds = array<i64: 512, 128>}]} {
    %get3A = arith.constant 0 : index
    %get3A_0 = arith.constant 0 : index
    %get3A_1 = vector.load %arg2[%get3A, %get3A_0] : memref<512x128xf32, #tpu.memory_space<vmem>>, vector<512x128xf32>
    %get3A_2 = arith.constant 0 : index
    %get3A_3 = arith.constant 0 : index
    %get3A_4 = arith.constant 0 : index
    %get3A_5 = vector.load %arg1[%get3A_2, %get3A_3, %get3A_4] : memref<2x512x128xf32, #tpu.memory_space<vmem>>, vector<1x512x128xf32>
    %get3A_6 = vector.shape_cast %get3A_5 : vector<1x512x128xf32> to vector<512x128xf32>
    %get3A_7 = arith.constant 1 : index
    %get3A_8 = arith.constant 0 : index
    %get3A_9 = arith.constant 0 : index
    %get3A_10 = vector.load %arg1[%get3A_7, %get3A_8, %get3A_9] : memref<2x512x128xf32, #tpu.memory_space<vmem>>, vector<1x512x128xf32>
    %get3A_11 = vector.shape_cast %get3A_10 : vector<1x512x128xf32> to vector<512x128xf32>
    %add3A = arith.addf %get3A_6, %get3A_11 : vector<512x128xf32>
    %reduce_max3A = arith.constant dense<0xFF800000> : vector<512xf32>
    %reduce_max3A_12 = vector.multi_reduction <maximumf>, %add3A, %reduce_max3A [1] : vector<512x128xf32> to vector<512xf32>
    %broadcast_in_dim3A = vector.shape_cast %reduce_max3A_12 : vector<512xf32> to vector<512x1xf32>
    %add3A_13 = arith.constant 1.000000e+00 : f32
    %add3A_14 = vector.broadcast %add3A_13 : f32 to vector<512x1xf32>
    %add3A_15 = arith.addf %broadcast_in_dim3A, %add3A_14 : vector<512x1xf32>
    %rsqrt3A = math.rsqrt %add3A_15 : vector<512x1xf32>
    %mul3A = vector.broadcast %rsqrt3A : vector<512x1xf32> to vector<512x128xf32>
    %mul3A_16 = arith.mulf %get3A_1, %mul3A : vector<512x128xf32>
    %swap3A = arith.constant 0 : index
    %swap3A_17 = arith.constant 0 : index
    %swap3A_18 = vector.load %arg3[%swap3A, %swap3A_17] : memref<512x128xf32, #tpu.memory_space<vmem>>, vector<512x128xf32>
    tpu.vector_store %arg3[%swap3A, %swap3A_17], %mul3A_16 {strides = array<i32>} : memref<512x128xf32, #tpu.memory_space<vmem>>, vector<512x128xf32>,
    return
  }
  func.func @transform_0(%arg0: i32) -> (i32, i32, i32) {
    %c0_i32 = arith.constant 0 : i32
    %c0_i32_0 = arith.constant 0 : i32
    %c0_i32_1 = arith.constant 0 : i32
    return %c0_i32, %arg0, %c0_i32_0 : i32, i32, i32
  }
  func.func @transform_1(%arg0: i32) -> (i32, i32) {
    %c0_i32 = arith.constant 0 : i32
    %c0_i32_0 = arith.constant 0 : i32
    return %arg0, %c0_i32 : i32, i32
  }
  func.func @transform_2(%arg0: i32) -> (i32, i32) {
    %c0_i32 = arith.constant 0 : i32
    %c0_i32_0 = arith.constant 0 : i32
    return %arg0, %c0_i32 : i32, i32
  }
}

module attributes {stable_mosaic.version = 14 : i64} {
  func.func @_tc2_body(%arg0: i32, %arg1: memref<2x512x128xf32, #tpu.memory_space<vmem>>, %arg2: memref<2x512x128xf32, #tpu.memory_space<vmem>>, %arg3: memref<1x128xf32, #tpu.memory_space<vmem>>, %arg4: memref<128x128xf32, #tpu.memory_space<vmem>>, %arg5: memref<512x128xf32, #tpu.memory_space<vmem>>) attributes {dimension_semantics = [#tpu.dimension_semantics<arbitrary>], iteration_bounds = array<i64: 20>, scalar_prefetch = 0 : i64, scratch_operands = 0 : i64, tpu.core_type = #tpu.core_type<tc>, window_params = [{transform_indices = @transform_0, window_bounds = array<i64: 2, 512, 128>}, {transform_indices = @transform_1, window_bounds = array<i64: 2, 512, 128>}, {pipeline_mode = #tpu.pipeline_mode<synchronous>, transform_indices = @transform_2, window_bounds = array<i64: 1, 128>}, {pipeline_mode = #tpu.pipeline_mode<synchronous>, transform_indices = @transform_3, window_bounds = array<i64: 128, 128>}, {transform_indices = @transform_4, window_bounds = array<i64: 512, 128>}]} {
    %get3A = arith.constant 0 : index
    %get3A_0 = arith.constant 0 : index
    %get3A_1 = arith.constant 0 : index
    %get3A_2 = vector.load %arg1[%get3A, %get3A_0, %get3A_1] : memref<2x512x128xf32, #tpu.memory_space<vmem>>, vector<1x512x128xf32>
    %get3A_3 = vector.shape_cast %get3A_2 : vector<1x512x128xf32> to vector<512x128xf32>
    %get3A_4 = arith.constant 1 : index
    %get3A_5 = arith.constant 0 : index
    %get3A_6 = arith.constant 0 : index
    %get3A_7 = vector.load %arg1[%get3A_4, %get3A_5, %get3A_6] : memref<2x512x128xf32, #tpu.memory_space<vmem>>, vector<1x512x128xf32>
    %get3A_8 = vector.shape_cast %get3A_7 : vector<1x512x128xf32> to vector<512x128xf32>
    %add3A = arith.addf %get3A_3, %get3A_8 : vector<512x128xf32>
    %reduce_max3A = arith.constant dense<0xFF800000> : vector<512xf32>
    %reduce_max3A_9 = vector.multi_reduction <maximumf>, %add3A, %reduce_max3A [1] : vector<512x128xf32> to vector<512xf32>
    %broadcast_in_dim3A = vector.shape_cast %reduce_max3A_9 : vector<512xf32> to vector<512x1xf32>
    %add3A_10 = arith.constant 1.000000e+00 : f32
    %add3A_11 = vector.broadcast %add3A_10 : f32 to vector<512x1xf32>
    %add3A_12 = arith.addf %broadcast_in_dim3A, %add3A_11 : vector<512x1xf32>
    %rsqrt3A = math.rsqrt %add3A_12 : vector<512x1xf32>
    %get3A_13 = arith.constant 0 : index
    %get3A_14 = arith.constant 0 : index
    %get3A_15 = arith.constant 0 : index
    %get3A_16 = vector.load %arg2[%get3A_13, %get3A_14, %get3A_15] : memref<2x512x128xf32, #tpu.memory_space<vmem>>, vector<1x512x128xf32>
    %get3A_17 = vector.shape_cast %get3A_16 : vector<1x512x128xf32> to vector<512x128xf32>
    %get3A_18 = arith.constant 1 : index
    %get3A_19 = arith.constant 0 : index
    %get3A_20 = arith.constant 0 : index
    %get3A_21 = vector.load %arg2[%get3A_18, %get3A_19, %get3A_20] : memref<2x512x128xf32, #tpu.memory_space<vmem>>, vector<1x512x128xf32>
    %get3A_22 = vector.shape_cast %get3A_21 : vector<1x512x128xf32> to vector<512x128xf32>
    %add3A_23 = arith.addf %get3A_17, %get3A_22 : vector<512x128xf32>
    %mul3A = vector.broadcast %rsqrt3A : vector<512x1xf32> to vector<512x128xf32>
    %mul3A_24 = arith.mulf %mul3A, %add3A_23 : vector<512x128xf32>
    %get3A_25 = arith.constant 0 : index
    %get3A_26 = arith.constant 0 : index
    %get3A_27 = vector.load %arg3[%get3A_25, %get3A_26] : memref<1x128xf32, #tpu.memory_space<vmem>>, vector<1x128xf32>
    %add3A_28 = vector.broadcast %get3A_27 : vector<1x128xf32> to vector<512x128xf32>
    %add3A_29 = arith.addf %mul3A_24, %add3A_28 : vector<512x128xf32>
    %max3A = arith.constant 0.000000e+00 : f32
    %max3A_30 = vector.broadcast %max3A : f32 to vector<512x128xf32>
    %max3A_31 = arith.maximumf %add3A_29, %max3A_30 : vector<512x128xf32>
    %get3A_32 = arith.constant 0 : index
    %get3A_33 = arith.constant 0 : index
    %get3A_34 = vector.load %arg4[%get3A_32, %get3A_33] : memref<128x128xf32, #tpu.memory_space<vmem>>, vector<128x128xf32>
    %dot_general3A = arith.constant dense<0.000000e+00> : vector<512x128xf32>
    %dot_general3A_35 = tpu.matmul %max3A_31, %get3A_34, %dot_general3A {dimension_numbers = #tpu.dot_dimension_numbers<[1], [0], [0], [1], [0, 0, 1, 1], [], []>, transpose_lhs_hint = false} : vector<512x128xf32>, vector<128x128xf32>, vector<512x128xf32> -> vector<512x128xf32>
    %mul3A_36 = vector.broadcast %rsqrt3A : vector<512x1xf32> to vector<512x128xf32>
    %mul3A_37 = arith.mulf %dot_general3A_35, %mul3A_36 : vector<512x128xf32>
    %swap3A = arith.constant 0 : index
    %swap3A_38 = arith.constant 0 : index
    %swap3A_39 = vector.load %arg5[%swap3A, %swap3A_38] : memref<512x128xf32, #tpu.memory_space<vmem>>, vector<512x128xf32>
    tpu.vector_store %arg5[%swap3A, %swap3A_38], %mul3A_37 {strides = array<i32>} : memref<512x128xf32, #tpu.memory_space<vmem>>, vector<512x128xf32>,
    return
  }
  func.func @transform_0(%arg0: i32) -> (i32, i32, i32) {
    %c0_i32 = arith.constant 0 : i32
    %c0_i32_0 = arith.constant 0 : i32
    %c0_i32_1 = arith.constant 0 : i32
    return %c0_i32, %arg0, %c0_i32_0 : i32, i32, i32
  }
  func.func @transform_1(%arg0: i32) -> (i32, i32, i32) {
    %c0_i32 = arith.constant 0 : i32
    %c0_i32_0 = arith.constant 0 : i32
    %c0_i32_1 = arith.constant 0 : i32
    return %c0_i32, %arg0, %c0_i32_0 : i32, i32, i32
  }
  func.func @transform_2(%arg0: i32) -> (i32, i32) {
    %c0_i32 = arith.constant 0 : i32
    %c0_i32_0 = arith.constant 0 : i32
    %c0_i32_1 = arith.constant 0 : i32
    return %c0_i32, %c0_i32_0 : i32, i32
  }
  func.func @transform_3(%arg0: i32) -> (i32, i32) {
    %c0_i32 = arith.constant 0 : i32
    %c0_i32_0 = arith.constant 0 : i32
    %c0_i32_1 = arith.constant 0 : i32
    return %c0_i32, %c0_i32_0 : i32, i32
  }
  func.func @transform_4(%arg0: i32) -> (i32, i32) {
    %c0_i32 = arith.constant 0 : i32
    %c0_i32_0 = arith.constant 0 : i32
    return %arg0, %c0_i32 : i32, i32
  }
}

module attributes {stable_mosaic.version = 14 : i64} {
  func.func @_tc3_body(%arg0: i32, %arg1: memref<2x512x128xf32, #tpu.memory_space<vmem>>, %arg2: memref<2x512x128xf32, #tpu.memory_space<vmem>>, %arg3: memref<1x128xf32, #tpu.memory_space<vmem>>, %arg4: memref<512x1xi32, #tpu.memory_space<vmem>>, %arg5: memref<128x16xf32, #tpu.memory_space<vmem>>, %arg6: memref<1x16xf32, #tpu.memory_space<vmem>>, %arg7: memref<64x16xf32, #tpu.memory_space<vmem>>, %arg8: memref<64x128xf32, #tpu.memory_space<vmem>>, %arg9: memref<64x128xf32, #tpu.memory_space<vmem>>) attributes {dimension_semantics = [#tpu.dimension_semantics<arbitrary>], iteration_bounds = array<i64: 20>, scalar_prefetch = 0 : i64, scratch_operands = 2 : i64, tpu.core_type = #tpu.core_type<tc>, window_params = [{transform_indices = @transform_0, window_bounds = array<i64: 2, 512, 128>}, {transform_indices = @transform_1, window_bounds = array<i64: 2, 512, 128>}, {pipeline_mode = #tpu.pipeline_mode<synchronous>, transform_indices = @transform_2, window_bounds = array<i64: 1, 128>}, {transform_indices = @transform_3, window_bounds = array<i64: 512, 1>}, {pipeline_mode = #tpu.pipeline_mode<synchronous>, transform_indices = @transform_4, window_bounds = array<i64: 128, 16>}, {pipeline_mode = #tpu.pipeline_mode<synchronous>, transform_indices = @transform_5, window_bounds = array<i64: 1, 16>}, {pipeline_mode = #tpu.pipeline_mode<synchronous>, transform_indices = @transform_6, window_bounds = array<i64: 64, 16>}]} {
    %eq3A = arith.constant 0 : i32
    %eq3A_0 = arith.cmpi eq, %arg0, %eq3A : i32
    %convert_element_type3A = arith.extui %eq3A_0 : i1 to i32
    %cond3A = arith.constant 0 : i32
    %cond3A_1 = arith.cmpi ne, %convert_element_type3A, %cond3A : i32
    scf.if %cond3A_1 {
      %broadcast_in_dim3A_81 = arith.constant 0.000000e+00 : f32
      %broadcast_in_dim3A_82 = vector.broadcast %broadcast_in_dim3A_81 : f32 to vector<64x128xf32>
      %swap3A_83 = arith.constant 0 : index
      %swap3A_84 = arith.constant 0 : index
      %swap3A_85 = vector.load %arg8[%swap3A_83, %swap3A_84] : memref<64x128xf32, #tpu.memory_space<vmem>>, vector<64x128xf32>
      tpu.vector_store %arg8[%swap3A_83, %swap3A_84], %broadcast_in_dim3A_82 {strides = array<i32>} : memref<64x128xf32, #tpu.memory_space<vmem>>, vector<64x128xf32>,
      %broadcast_in_dim3A_86 = arith.constant 0.000000e+00 : f32
      %broadcast_in_dim3A_87 = vector.broadcast %broadcast_in_dim3A_86 : f32 to vector<64x128xf32>
      %swap3A_88 = arith.constant 0 : index
      %swap3A_89 = arith.constant 0 : index
      %swap3A_90 = vector.load %arg9[%swap3A_88, %swap3A_89] : memref<64x128xf32, #tpu.memory_space<vmem>>, vector<64x128xf32>
      tpu.vector_store %arg9[%swap3A_88, %swap3A_89], %broadcast_in_dim3A_87 {strides = array<i32>} : memref<64x128xf32, #tpu.memory_space<vmem>>, vector<64x128xf32>,
    } else {
    }
    %get3A = arith.constant 0 : index
    %get3A_2 = arith.constant 0 : index
    %get3A_3 = arith.constant 0 : index
    %get3A_4 = vector.load %arg1[%get3A, %get3A_2, %get3A_3] : memref<2x512x128xf32, #tpu.memory_space<vmem>>, vector<1x512x128xf32>
    %get3A_5 = vector.shape_cast %get3A_4 : vector<1x512x128xf32> to vector<512x128xf32>
    %get3A_6 = arith.constant 1 : index
    %get3A_7 = arith.constant 0 : index
    %get3A_8 = arith.constant 0 : index
    %get3A_9 = vector.load %arg1[%get3A_6, %get3A_7, %get3A_8] : memref<2x512x128xf32, #tpu.memory_space<vmem>>, vector<1x512x128xf32>
    %get3A_10 = vector.shape_cast %get3A_9 : vector<1x512x128xf32> to vector<512x128xf32>
    %add3A = arith.addf %get3A_5, %get3A_10 : vector<512x128xf32>
    %reduce_max3A = arith.constant dense<0xFF800000> : vector<512xf32>
    %reduce_max3A_11 = vector.multi_reduction <maximumf>, %add3A, %reduce_max3A [1] : vector<512x128xf32> to vector<512xf32>
    %broadcast_in_dim3A = vector.shape_cast %reduce_max3A_11 : vector<512xf32> to vector<512x1xf32>
    %add3A_12 = arith.constant 1.000000e+00 : f32
    %add3A_13 = vector.broadcast %add3A_12 : f32 to vector<512x1xf32>
    %add3A_14 = arith.addf %broadcast_in_dim3A, %add3A_13 : vector<512x1xf32>
    %rsqrt3A = math.rsqrt %add3A_14 : vector<512x1xf32>
    %get3A_15 = arith.constant 0 : index
    %get3A_16 = arith.constant 0 : index
    %get3A_17 = arith.constant 0 : index
    %get3A_18 = vector.load %arg2[%get3A_15, %get3A_16, %get3A_17] : memref<2x512x128xf32, #tpu.memory_space<vmem>>, vector<1x512x128xf32>
    %get3A_19 = vector.shape_cast %get3A_18 : vector<1x512x128xf32> to vector<512x128xf32>
    %get3A_20 = arith.constant 1 : index
    %get3A_21 = arith.constant 0 : index
    %get3A_22 = arith.constant 0 : index
    %get3A_23 = vector.load %arg2[%get3A_20, %get3A_21, %get3A_22] : memref<2x512x128xf32, #tpu.memory_space<vmem>>, vector<1x512x128xf32>
    %get3A_24 = vector.shape_cast %get3A_23 : vector<1x512x128xf32> to vector<512x128xf32>
    %add3A_25 = arith.addf %get3A_19, %get3A_24 : vector<512x128xf32>
    %mul3A = vector.broadcast %rsqrt3A : vector<512x1xf32> to vector<512x128xf32>
    %mul3A_26 = arith.mulf %mul3A, %add3A_25 : vector<512x128xf32>
    %get3A_27 = arith.constant 0 : index
    %get3A_28 = arith.constant 0 : index
    %get3A_29 = vector.load %arg3[%get3A_27, %get3A_28] : memref<1x128xf32, #tpu.memory_space<vmem>>, vector<1x128xf32>
    %add3A_30 = vector.broadcast %get3A_29 : vector<1x128xf32> to vector<512x128xf32>
    %add3A_31 = arith.addf %mul3A_26, %add3A_30 : vector<512x128xf32>
    %max3A = arith.constant 0.000000e+00 : f32
    %max3A_32 = vector.broadcast %max3A : f32 to vector<512x128xf32>
    %max3A_33 = arith.maximumf %add3A_31, %max3A_32 : vector<512x128xf32>
    %get3A_34 = arith.constant 0 : index
    %get3A_35 = arith.constant 0 : index
    %get3A_36 = vector.load %arg4[%get3A_34, %get3A_35] : memref<512x1xi32, #tpu.memory_space<vmem>>, vector<512x1xi32>
    %iota3A = tpu.iota {dimensions = array<i32: 1>} : vector<512x64xi32>
    %eq3A_37 = vector.broadcast %get3A_36 : vector<512x1xi32> to vector<512x64xi32>
    %eq3A_38 = arith.cmpi eq, %eq3A_37, %iota3A : vector<512x64xi32>
    %convert_element_type3A_39 = arith.extui %eq3A_38 : vector<512x64xi1> to vector<512x64xi32>
    %convert_element_type3A_40 = arith.sitofp %convert_element_type3A_39 : vector<512x64xi32> to vector<512x64xf32>
    %get3A_41 = arith.constant 0 : index
    %get3A_42 = arith.constant 0 : index
    %get3A_43 = vector.load %arg8[%get3A_41, %get3A_42] : memref<64x128xf32, #tpu.memory_space<vmem>>, vector<64x128xf32>
    %dot_general3A = arith.constant dense<0.000000e+00> : vector<64x128xf32>
    %dot_general3A_44 = tpu.matmul %convert_element_type3A_40, %max3A_33, %dot_general3A {dimension_numbers = #tpu.dot_dimension_numbers<[0], [0], [1], [1], [0, 1, 1, 1], [], []>, transpose_lhs_hint = false} : vector<512x64xf32>, vector<512x128xf32>, vector<64x128xf32> -> vector<64x128xf32>
    %add3A_45 = arith.addf %get3A_43, %dot_general3A_44 : vector<64x128xf32>
    %swap3A = arith.constant 0 : index
    %swap3A_46 = arith.constant 0 : index
    %swap3A_47 = vector.load %arg8[%swap3A, %swap3A_46] : memref<64x128xf32, #tpu.memory_space<vmem>>, vector<64x128xf32>
    tpu.vector_store %arg8[%swap3A, %swap3A_46], %add3A_45 {strides = array<i32>} : memref<64x128xf32, #tpu.memory_space<vmem>>, vector<64x128xf32>,
    %get3A_48 = arith.constant 0 : index
    %get3A_49 = arith.constant 0 : index
    %get3A_50 = vector.load %arg9[%get3A_48, %get3A_49] : memref<64x128xf32, #tpu.memory_space<vmem>>, vector<64x128xf32>
    %broadcast_in_dim3A_51 = arith.constant 1.000000e+00 : f32
    %broadcast_in_dim3A_52 = vector.broadcast %broadcast_in_dim3A_51 : f32 to vector<512x128xf32>
    %dot_general3A_53 = arith.constant dense<0.000000e+00> : vector<64x128xf32>
    %dot_general3A_54 = tpu.matmul %convert_element_type3A_40, %broadcast_in_dim3A_52, %dot_general3A_53 {dimension_numbers = #tpu.dot_dimension_numbers<[0], [0], [1], [1], [0, 1, 1, 1], [], []>, transpose_lhs_hint = false} : vector<512x64xf32>, vector<512x128xf32>, vector<64x128xf32> -> vector<64x128xf32>
    %add3A_55 = arith.addf %get3A_50, %dot_general3A_54 : vector<64x128xf32>
    %swap3A_56 = arith.constant 0 : index
    %swap3A_57 = arith.constant 0 : index
    %swap3A_58 = vector.load %arg9[%swap3A_56, %swap3A_57] : memref<64x128xf32, #tpu.memory_space<vmem>>, vector<64x128xf32>
    tpu.vector_store %arg9[%swap3A_56, %swap3A_57], %add3A_55 {strides = array<i32>} : memref<64x128xf32, #tpu.memory_space<vmem>>, vector<64x128xf32>,
    %get3A_59 = arith.constant 0 : index
    %get3A_60 = arith.constant 0 : index
    %get3A_61 = vector.load %arg8[%get3A_59, %get3A_60] : memref<64x128xf32, #tpu.memory_space<vmem>>, vector<64x128xf32>
    %get3A_62 = arith.constant 0 : index
    %get3A_63 = arith.constant 0 : index
    %get3A_64 = vector.load %arg9[%get3A_62, %get3A_63] : memref<64x128xf32, #tpu.memory_space<vmem>>, vector<64x128xf32>
    %max3A_65 = arith.constant 1.000000e+00 : f32
    %max3A_66 = vector.broadcast %max3A_65 : f32 to vector<64x128xf32>
    %max3A_67 = arith.maximumf %get3A_64, %max3A_66 : vector<64x128xf32>
    %div3A = arith.divf %get3A_61, %max3A_67 : vector<64x128xf32>
    %get3A_68 = arith.constant 0 : index
    %get3A_69 = arith.constant 0 : index
    %get3A_70 = vector.load %arg5[%get3A_68, %get3A_69] : memref<128x16xf32, #tpu.memory_space<vmem>>, vector<128x16xf32>
    %dot_general3A_71 = arith.constant dense<0.000000e+00> : vector<64x16xf32>
    %dot_general3A_72 = tpu.matmul %div3A, %get3A_70, %dot_general3A_71 {dimension_numbers = #tpu.dot_dimension_numbers<[1], [0], [0], [1], [0, 0, 1, 1], [], []>, transpose_lhs_hint = false} : vector<64x128xf32>, vector<128x16xf32>, vector<64x16xf32> -> vector<64x16xf32>
    %get3A_73 = arith.constant 0 : index
    %get3A_74 = arith.constant 0 : index
    %get3A_75 = vector.load %arg6[%get3A_73, %get3A_74] : memref<1x16xf32, #tpu.memory_space<vmem>>, vector<1x16xf32>
    %add3A_76 = vector.broadcast %get3A_75 : vector<1x16xf32> to vector<64x16xf32>
    %add3A_77 = arith.addf %dot_general3A_72, %add3A_76 : vector<64x16xf32>
    %swap3A_78 = arith.constant 0 : index
    %swap3A_79 = arith.constant 0 : index
    %swap3A_80 = vector.load %arg7[%swap3A_78, %swap3A_79] : memref<64x16xf32, #tpu.memory_space<vmem>>, vector<64x16xf32>
    tpu.vector_store %arg7[%swap3A_78, %swap3A_79], %add3A_77 {strides = array<i32>} : memref<64x16xf32, #tpu.memory_space<vmem>>, vector<64x16xf32>,
    return
  }
  func.func @transform_0(%arg0: i32) -> (i32, i32, i32) {
    %c0_i32 = arith.constant 0 : i32
    %c0_i32_0 = arith.constant 0 : i32
    %c0_i32_1 = arith.constant 0 : i32
    return %c0_i32, %arg0, %c0_i32_0 : i32, i32, i32
  }
  func.func @transform_1(%arg0: i32) -> (i32, i32, i32) {
    %c0_i32 = arith.constant 0 : i32
    %c0_i32_0 = arith.constant 0 : i32
    %c0_i32_1 = arith.constant 0 : i32
    return %c0_i32, %arg0, %c0_i32_0 : i32, i32, i32
  }
  func.func @transform_2(%arg0: i32) -> (i32, i32) {
    %c0_i32 = arith.constant 0 : i32
    %c0_i32_0 = arith.constant 0 : i32
    %c0_i32_1 = arith.constant 0 : i32
    return %c0_i32, %c0_i32_0 : i32, i32
  }
  func.func @transform_3(%arg0: i32) -> (i32, i32) {
    %c0_i32 = arith.constant 0 : i32
    %c0_i32_0 = arith.constant 0 : i32
    return %arg0, %c0_i32 : i32, i32
  }
  func.func @transform_4(%arg0: i32) -> (i32, i32) {
    %c0_i32 = arith.constant 0 : i32
    %c0_i32_0 = arith.constant 0 : i32
    %c0_i32_1 = arith.constant 0 : i32
    return %c0_i32, %c0_i32_0 : i32, i32
  }
  func.func @transform_5(%arg0: i32) -> (i32, i32) {
    %c0_i32 = arith.constant 0 : i32
    %c0_i32_0 = arith.constant 0 : i32
    %c0_i32_1 = arith.constant 0 : i32
    return %c0_i32, %c0_i32_0 : i32, i32
  }
  func.func @transform_6(%arg0: i32) -> (i32, i32) {
    %c0_i32 = arith.constant 0 : i32
    %c0_i32_0 = arith.constant 0 : i32
    %c0_i32_1 = arith.constant 0 : i32
    return %c0_i32, %c0_i32_0 : i32, i32
  }
}

</mosaic_0001>

<sc_bundles>
// kernel: kernel.12.cloned.1.call-start
scs
__scs_entry_jumppad:
0x0: {  	(pc) =	sbr.rel $0x88, $3  }
0x1: {  	(tag) =	ssettag $0x0;
	lr =	simm.s32 $0x1  }
0x2: {  	[smem:$0x3F98] =	sst lr;
	_ =	strace $0xD0000000  }
0x3: {  	_ = 	snop  }
0x4: {  	_ = 	snop  }
0x5: {  	_ = 	snop  }
0x6: {  	_ = 	snop  }
0x7: {  	_ = 	snop  }
__scs_overlays_trampoline_lowered:
0x8: {  	[smem:$0x3FA7] =	sst s0  }
0x9: {  	[smem:$0x3FA8] =	sst s1  }
0xa: {  	[smem:$0x3FA9] =	sst s2  }
0xb: {  	[smem:$0x3FAA] =	sst s3  }
0xc: {  	[smem:$0x3FAB] =	sst s4  }
0xd: {  	[smem:$0x3FAC] =	sst s5  }
0xe: {  	[smem:$0x3FAD] =	sst s6  }
0xf: {  	[smem:$0x3FAE] =	sst s7  }
0x10: {  	[smem:$0x3FAF] =	sst s8  }
0x11: {  	[smem:$0x3FB0] =	sst s9;
	s0 =	simm.s32 @!p0 $0x0  }
0x12: {  	s1 =	sld [smem:$0x3F96];
	s0 =	simm.s32 @p0 $0x1  }
0x13: {  	[smem:$0x3FB1] =	sst s0;
	s0 =	simm.s32 @!p1 $0x0  }
0x14: {  	s2 =	sld [smem:$0x3F95];
	s0 =	simm.s32 @p1 $0x1  }
0x15: {  	[smem:$0x3FB2] =	sst s0;
	s0 =	simm.s32 @!p2 $0x0  }
0x16: {  	s3 =	sld [smem:$0x3FDB];
	s0 =	simm.s32 @p2 $0x1  }
0x17: {  	s4 =	simm.s32 $0x1BF5;
	[smem:$0x3FB4] =	sst s0  }
0x18: {  	s0 =	sld [smem:$0x3F97];
	_ =	swait.ge [sflag:s4], $0x0  }
0x19: {  	s7 =	sld [smem:$0x3F98]  }
0x1a: {  	s8 =	sadd.s32 $0xFFFFE003, lr  }
0x1b: {  	s9 =	sadd.s32 $0xFFFFFEF7, lr;
	s5 =	simm.s32 $0xFFFFFFFF;
	p2 =	slt.u32 s8, $0xFFFFF086  }
0x1c: {  	p1 =	slt.u32 s9, $0xF7A;
	s5 =	simm.s32 @!p2 $0x0  }
0x1d: {  	s5 =	simm.s32 @p1 $0x1;
	p0 =	seq.s32 s7, s2  }
0x1e: {  	s7 =	smul.u32 @!p0 $0xF7A, s2;
	p2 =	seq.s32 @!p0 s5, $0x0  }
0x1f: {  	s9 =	smul.u32 $0xF7A, s1;
	s8 =	simm.s32 @!p0 $0x1BF5;
	p2 =	por !p2, p0  }
0x20: {  	[sflag:s8] =	ssyncset.s32 @!p0 $0xFFFFF086;
	s6 =	sadd.s32 @!p0 s3, s7;
	s7 =	simm.s32 @!p0 $0x108  }
0x21: {  	s3 =	sadd.s32 s3, s9;
	s6 =	sadd.s32 @!p0 $0x88, s6;
	s7 =	simm.s32 @p2 $0x1082  }
0x22: {  	[simem:s7], [sflag:s8] =	dma.local @!p0 [hbm:s6], $0xF7A  }
0x23: {  	s9 =	sor.u32 $0xD0000000, s2;
	s6 =	simm.s32 $0x108;
	_ =	swait.ge @!p0 [sflag:s8], $0x0  }
0x24: {  	s3 =	sadd.s32 $0x88, s3;
	s6 =	simm.s32 @!p1 $0x1082;
	[sflag:s4] =	ssyncset.s32 $0xFFFFF086  }
0x25: {  	[simem:s6], [sflag:s4] =	dma.local [hbm:s3], $0xF7A  }
0x26: {  	[smem:$0x3F98] =	sst s1;
	(tag) =	ssettag s2;
	_ =	strace s9  }
0x27: {  	s1 =	sld [smem:$0x3FA8]  }
0x28: {  	s2 =	sld [smem:$0x3FA9]  }
0x29: {  	s4 =	sld [smem:$0x3FAB]  }
0x2a: {  	p0 =	seq.s32 s5, $0x0;
	s5 =	sld [smem:$0x3FAC]  }
0x2b: {  	s6 =	sld [smem:$0x3FAD]  }
0x2c: {  	s7 =	sld [smem:$0x3FAE]  }
0x2d: {  	s3 =	simm.s32 $0x108;
	s8 =	sld [smem:$0x3FAF]  }
0x2e: {  	s3 =	simm.s32 @!p0 $0x1082;
	s9 =	sld [smem:$0x3FB0]  }
0x2f: {  	lr =	sadd.s32 s0, s3;
	s0 =	sld [smem:$0x3FA7]  }
0x30: {  	s3 =	sld [smem:$0x3FAA]  }
0x31: {  	[smem:$0x3FB3] =	sst s10  }
0x32: {  	s10 =	sld [smem:$0x3FB1];
	_ =	sdelay $0x3  }
0x33: {  	p0 =	seq.s32 s10, $0x1;
	s10 =	sld [smem:$0x3FB3];
	_ =	sdelay $0x3  }
0x34: {  	[smem:$0x3FB3] =	sst s10  }
0x35: {  	s10 =	sld [smem:$0x3FB2];
	_ =	sdelay $0x3  }
0x36: {  	p1 =	seq.s32 s10, $0x1;
	s10 =	sld [smem:$0x3FB3];
	_ =	sdelay $0x3  }
0x37: {  	[smem:$0x3FB3] =	sst s10  }
0x38: {  	s10 =	sld [smem:$0x3FB4]  }
0x39: {  	_ = 	snop;
	(pc) =	sbr.ind lr, $3  }
0x3a: {  	_ = 	snop  }
0x3b: {  	_ = 	snop  }
0x3c: {  	p2 =	seq.s32 s10, $0x1;
	s10 =	sld [smem:$0x3FB3]  }
0x3d: {  	_ =	shalt  }
0x3e: {  	_ =	shalt  }
0x3f: {  	_ =	shalt  }
0x40: {  	_ =	shalt  }
0x41: {  	_ =	shalt  }
0x42: {  	_ =	shalt  }
0x43: {  	_ =	shalt  }
0x44: {  	_ =	shalt  }
0x45: {  	_ =	shalt  }
0x46: {  	_ =	shalt  }
0x47: {  	_ =	shalt  }
0x48: {  	_ =	shalt  }
0x49: {  	_ =	shalt  }
0x4a: {  	_ =	shalt  }
0x4b: {  	_ =	shalt  }
0x4c: {  	_ =	shalt  }
0x4d: {  	_ =	shalt  }
0x4e: {  	_ =	shalt  }
0x4f: {  	_ =	shalt  }
0x50: {  	_ =	shalt  }
0x51: {  	_ =	shalt  }
0x52: {  	_ =	shalt  }
0x53: {  	_ =	shalt  }
0x54: {  	_ =	shalt  }
0x55: {  	_ =	shalt  }
0x56: {  	_ =	shalt  }
0x57: {  	_ =	shalt  }
0x58: {  	_ =	shalt  }
0x59: {  	_ =	shalt  }
0x5a: {  	_ =	shalt  }
0x5b: {  	_ =	shalt  }
0x5c: {  	_ =	shalt  }
0x5d: {  	_ =	shalt  }
0x5e: {  	_ =	shalt  }
0x5f: {  	_ =	shalt  }
0x60: {  	_ =	shalt  }
0x61: {  	_ =	shalt  }
0x62: {  	_ =	shalt  }
0x63: {  	_ =	shalt  }
0x64: {  	_ =	shalt  }
0x65: {  	_ =	shalt  }
0x66: {  	_ =	shalt  }
0x67: {  	_ =	shalt  }
0x68: {  	_ =	shalt  }
0x69: {  	_ =	shalt  }
0x6a: {  	_ =	shalt  }
0x6b: {  	_ =	shalt  }
0x6c: {  	_ =	shalt  }
0x6d: {  	_ =	shalt  }
0x6e: {  	_ =	shalt  }
0x6f: {  	_ =	shalt  }
0x70: {  	_ =	shalt  }
0x71: {  	_ =	shalt  }
0x72: {  	_ =	shalt  }
0x73: {  	_ =	shalt  }
0x74: {  	_ =	shalt  }
0x75: {  	_ =	shalt  }
0x76: {  	_ =	shalt  }
0x77: {  	_ =	shalt  }
0x78: {  	_ =	shalt  }
0x79: {  	_ =	shalt  }
0x7a: {  	_ =	shalt  }
0x7b: {  	_ =	shalt  }
0x7c: {  	_ =	shalt  }
0x7d: {  	_ =	shalt  }
0x7e: {  	_ =	shalt  }
0x7f: {  	_ =	shalt  }
0x80: {  	_ =	shalt  }
0x81: {  	_ =	shalt  }
0x82: {  	_ =	shalt  }
0x83: {  	_ =	shalt  }
0x84: {  	_ =	shalt  }
0x85: {  	_ =	shalt  }
0x86: {  	_ =	shalt  }
0x87: {  	_ =	shalt  }
.Lfunc_end0:
.L_simem_size_0:
called_computation.1_lowered:
.L_overlay_start_0:
0x88: {  	s2 =	sld [smem:$0x3FD9]  }
0x89: {  	s3 =	sld [smem:$0x3FFE];
	_ =	sdelay $0x1  }
0x8a: {  	s1 =	srdreg.scid  }
0x8b: {  	s0 =	sand.u32 $0x1, s1  }
0x8c: {  	s16 =	sshll.u32 s0, $0xA;
	s2 =	sadd.s32 s3, s2  }
0x8d: {  	s2 =	sadd.s32 s2, s16  }
0x8e: {  	[smem:$0x3FBF] =	sst s2  }
0x8f: {  	_ = 	snop  }
0x90: {  	(tm) =	ssettm $0x1  }
0x91: {  	s17 =	sld [smem:$0x3FFB];
	_ =	sdelay $0x3  }
0x92: {  	_ =	strace s17  }
0x93: {  	s2 =	sld [smem:$0x3FFC];
	_ =	sdelay $0x3  }
0x94: {  	_ =	strace s2  }
0x95: {  	s2 =	sld [smem:$0x3FFD];
	_ =	sdelay $0x3  }
0x96: {  	_ =	strace s2  }
0x97: {  	_ =	strace $0x8FFFFFFF  }
0x98: {  	s18 =	sld [smem:$0x3FDB];
	_ =	sdelay $0x1  }
0x99: {  	s19 =	simm.s32 $_scs_section_size  }
0x9a: {  	s4 =	simm.s32 $_size__tile_overlayer_lowered;
	s5 =	simm.s32 $_tile_overlayer_lowered  }
0x9b: {  	s22 =	simm.s32 $0x1BFF;
	s21 =	sshll.u32 s5, $0x1;
	s2 =	sadd.s32 s19, s18  }
0x9c: {  	s6 =	simm.s32 $0x0;
	s20 =	sshll.u32 s4, $0x1;
	s4 =	sadd.s32 s21, s2  }
0x9d: {  	[timem:s6], [sflag:s22] =	dma.local [hbm:s4], s20  }
0x9e: {  	_ =	swait.ge [sflag:s22], s20  }
0x9f: {  	s3 =	ssub.s32 $0x0, s20;
	[sflag:s22] =	ssyncset.done $0x0  }
0xa0: {  	[sflag:s22] =	ssyncadd.s32 s3;
	_ =	sdelay $0x1  }
0xa1: {  	s23 =	simm.s32 $0x1B8B  }
0xa2: {  	_ =	swait.ge [sflag:s23], $0x1  }
0xa3: {  	[sflag:s23] =	ssyncset.done $0x0  }
0xa4: {  	s25 =	simm.s32 $0x1B8E;
	s24 =	sld [smem:$0x3FFE];
	[sflag:s23] =	ssyncadd.s32 $0xFFFFFFFF  }
0xa5: {  	s26 =	simm.s32 $execute0_lowered;
	[smem:$0x3FD2] =	sst s25  }
0xa6: {  	s4 =	sshll.u32 s26, $0x1;
	_ =	strace $0x80000049;
	[dreg:$0x1] =	wrdreg $0xFFFFFFFF  }
0xa7: {  	s28 =	simm.s32 $_size_execute0_lowered;
	s2 =	sadd.s32 s2, s4;
	[dreg:$0x0] =	wrdreg $0x0  }
0xa8: {  	s4 =	sshll.u32 s28, $0x1;
	[dreg:$0x2] =	wrdreg s2  }
0xa9: {  	[dreg:$0x3] =	wrdreg s4  }
0xaa: {  	[dreg:$0x4] =	wrdreg $0xC0  }
0xab: {  	_ =	task [dreg:s6], $0x5FFFF  }
0xac: {  	[dreg:$0x1] =	wrdreg $0xFFFFFFFF  }
0xad: {  	[dreg:$0x0] =	wrdreg $0x60  }
0xae: {  	[dreg:$0x2] =	wrdreg s24  }
0xaf: {  	[dreg:$0x3] =	wrdreg $0xA8000  }
0xb0: {  	[dreg:$0x4] =	wrdreg $0x9  }
0xb1: {  	_ =	task.clear_ibuf [dreg:s6], $0x5FFFF;
	_ =	strace $0x90000049  }
0xb2: {  	s29 =	simm.s32 $0x9;
	_ =	strace $0x8000004B  }
0xb3: {  	_ =	swait.ge [sflag:s29], $0x1  }
0xb4: {  	[sflag:s29] =	ssyncadd.s32 $0xFFFFFFFF  }
0xb5: {  	_ =	strace $0x9000004B  }
0xb6: {  	_ =	sfence  }
0xb7: {  	s30 =	sld [smem:$0x0];
	_ =	sdelay $0x2  }
0xb8: {  	s31 =	sshll.u32 s1, $0xD;
	s1 =	sshrl.u32 s1, $0x2  }
0xb9: {  	s3 =	sand.u32 $0x4000, s31;
	s1 =	sadd.s32 s1, s30  }
0xba: {  	s0 =	sor.u32 s3, s0;
	s1 =	sshll.u32 s1, $0x11  }
0xbb: {  	s0 =	sor.u32 s1, s0  }
0xbc: {  	s0 =	sadd.s32 $0x8F2B, s0  }
0xbd: {  	[sflag:s0] =	ssyncadd.remote.s32 $0x1  }
0xbe: {  	_ =	sfence.sel $0xFFFF  }
0xbf: {  	[dreg:$0x0] =	wrdreg $0xFFFFFFFF;
	(pc) =	sbr.abs _section_cstart, $3  }
0xc0: {  	[dreg:$0x1] =	wrdreg $0xFFFFFFFF  }
0xc1: {  	_ =	task.clear_ibuf [dreg:s6], $0x2FFFF;
	_ =	strace $0x9FFFFFFF  }
0xc2: {  	(tm) =	ssettm $0x7FFFFFFF  }
0xc3: {  	_ =	shalt  }
tec
execute0_lowered:
.L_overlay_start_1:
0x0: {  	(tag) =	ssettag $0x1  }
0x1: {  	s5 =	rddreg [dreg:$0x0]  }
0x2: {  	s1 =	rddreg [dreg:$0x1];
	s2 =	srdreg.scid  }
0x3: {  	s0 =	rddreg [dreg:$0x2];
	s3 =	simm.s32 $0x0;
	s16 =	simm.s32 $0x1  }
0x4: {  	s17 =	simm.s32 $0x80;
	s18 =	simm.s32 $0x2780;
	s19 =	simm.s32 $0x6800  }
0x5: {  	s20 =	simm.s32 $0x0;
	s6 =	sand.u32 $0x1, s2;
	s2 =	stileid.u32  }
0x6: {  	[smem:$0x7FF] =	sst s3;
	s4 =	sadd.s32 $0x3E200, s5;
	s7 =	smul.u32 $0x140000, s6  }
0x7: {  	s9 =	sadd.s32 $0x2200, s5;
	s10 =	sadd.s32 $0xC200, s5;
	s8 =	smul.u32 $0x14000, s2  }
0x8: {  	s11 =	sadd.s32 $0x16200, s5;
	_ =	strace $0x8000004A;
	s29 =	smul.u32 $0x50000, s2  }
0x9: {  	s28 =	ssub.s32 $0x2, s6;
	p0 =	seq.s32 s6, $0x0;
	s15 =	smul.u32 $0x2800, s2  }
0xa: {  	s13 =	sshrl.u32 s28, $0x1;
	s7 =	sadd.s32 s8, s7;
	s8 =	smul.u32 $0x500, s2  }
0xb: {  	s31 =	sshll.u32 s2, $0x6;
	s11 =	smov.u32 @p0 s4;
	s13 =	ssub.s32 s28, s13  }
0xc: {  	s30 =	sshrl.u32 s29, $0x2;
	s11 =	sadd.s32 s11, s15;
	s6 =	sadd.s32 $0x5000, s8  }
0xd: {  	s15 =	simm.s32 $0x2800;
	s7 =	sshrl.u32 s7, $0x3;
	s6 =	smov.u32 @p0 s8  }
0xe: {  	s14 =	sadd.s32 s30, s1;
	s12 =	sadd.s32 s7, s5;
	s8 =	sadd.s32 $0x280, s6  }
0xf: {  	s5 =	sadd.s32 s9, s6;
	s6 =	sadd.s32 s10, s6;
	s7 =	sadd.s32 s9, s8  }
0x10: {  	s8 =	sadd.s32 s10, s8;
	s9 =	sadd.s32 $0x66200, s12;
	s10 =	smax.u32 s13, $0x1  }
0x11: {  	s12 =	sor.u32 $0x1C02, s31;
	s13 =	sshrl.u32 s14, $0x3;
	s14 =	simm.s32 $0x2  }
.LBB2_1:
0x12: {  	[spmem:s13], [sflag:s12] =	dma.local [hbm:s11], $0x2800  }
0x13: {  	_ =	swait.ge [sflag:s14], $0x2800  }
0x14: {  	[sflag:s14] =	ssyncset.done $0x0  }
0x15: {  	[sflag:s14] =	ssyncadd.s32 $0xFFFFD800  }
0x16: {  	[bflag:$0x0] =	sbarrier.arrive $0xFFFF  }
0x17: {  	[tilespmem:s3], [sflag:$0x2] =	stream.linear.gather [hbm4b:s5+s3], $0x1400, $0x38;
	[tilespmem:$0x1E800] =	vst v63  }
0x18: {  	_ =	swait.ge [sflag:s14], $0x1400  }
0x19: {  	[sflag:s14] =	ssyncset.done $0x0  }
0x1a: {  	s21 =	simm.s32 $0x1400;
	[sflag:s14] =	ssyncadd.s32 $0xFFFFEC00  }
0x1b: {  	[tilespmem:s21], [sflag:$0x2] =	stream.linear.gather [hbm4b:s6+s3], $0x1400, $0x38;
	[tilespmem:$0x1E800] =	vst v63  }
0x1c: {  	_ =	swait.ge [sflag:s14], $0x1400  }
0x1d: {  	[sflag:s14] =	ssyncset.done $0x0  }
0x1e: {  	[sflag:s14] =	ssyncadd.s32 $0xFFFFEC00  }
0x1f: {  	[tilespmem:s15], [sflag:$0x1] =	stream.indirect.gather [hbm4b:s4+s17], $0x80, s3, s17, $0xb8;
	[tilespmem:$0x1E800] =	vst v63  }
0x20: {  	s22 =	simm.s32 $0x4000;
	_ =	swait.ge [sflag:s16], $0x4000  }
0x21: {  	s23 =	simm.s32 $0x0;
	s22 =	sand.u32 $0x4000, s22;
	[sflag:s16] =	ssyncset.done $0x0  }
0x22: {  	s31 =	sand.u32 $0x4000, s23;
	s22 =	sor.u32 $0x2800, s22;
	[sflag:s16] =	ssyncadd.s32 $0xFFFFC000  }
0x23: {  	[tilespmem:s22], [sflag:$0x1] =	stream.indirect.gather [hbm4b:s4+s17], $0x80, s17, s17, $0xb8;
	[tilespmem:$0x1E800] =	vst v63  }
0x24: {  	s22 =	sor.u32 $0x2800, s31  }
0x25: {  	[spmem:s1] =	stream.indirect.scatter.add.f32 [tilespmem:s22], [sflag:$0x2], $0x80, s21, s17, $0xb8;
	[tilespmem:$0x1E800] =	vst v63  }
0x26: {  	s23 =	simm.s32 $0x80;
	s22 =	simm.s32 $0x8000;
	_ =	swait.ge [sflag:s14], $0x4000  }
.LBB2_2:
0x27: {  	[sflag:s14] =	ssyncset.done $0x0  }
0x28: {  	s21 =	sadd.s32 $0x80, s21;
	s23 =	sadd.s32 $0x80, s23;
	s24 =	smov.u32 s22  }
0x29: {  	p0 =	sne.s32 s22, $0x9C000;
	s22 =	sadd.s32 $0x4000, s22;
	[sflag:s14] =	ssyncadd.s32 $0xFFFFC000  }
0x2a: {  	_ =	swait.ge [sflag:s16], $0x4000  }
0x2b: {  	s25 =	sand.u32 $0x4000, s24;
	[sflag:s16] =	ssyncset.done $0x0  }
0x2c: {  	s24 =	sadd.s32 $0xFFFFC000, s24;
	s25 =	sor.u32 $0x2800, s25;
	[sflag:s16] =	ssyncadd.s32 $0xFFFFC000  }
0x2d: {  	[tilespmem:s25], [sflag:$0x1] =	stream.indirect.gather [hbm4b:s4+s17], $0x80, s23, s17, $0xb8;
	[tilespmem:$0x1E800] =	vst v63  }
.Ltmp0:
0x2e: {  	_ = 	snop;
	(pc) =	sbr.rel @p0 .LBB2_2-.Ltmp0, $4  }
0x2f: {  	s24 =	sand.u32 $0x4000, s24  }
0x30: {  	s24 =	sor.u32 $0x2800, s24  }
0x31: {  	[spmem:s1] =	stream.indirect.scatter.add.f32 [tilespmem:s24], [sflag:$0x2], $0x80, s21, s17, $0xb8;
	[tilespmem:$0x1E800] =	vst v63  }
0x32: {  	_ =	swait.ge [sflag:s14], $0x4000  }
0x33: {  	[sflag:s14] =	ssyncset.done $0x0  }
0x34: {  	[sflag:s14] =	ssyncadd.s32 $0xFFFFC000  }
0x35: {  	_ =	swait.ge [sflag:s16], $0x4000  }
0x36: {  	[sflag:s16] =	ssyncset.done $0x0  }
0x37: {  	s21 =	simm.s32 $0x80;
	[sflag:s16] =	ssyncadd.s32 $0xFFFFC000  }
0x38: {  	[spmem:s1] =	stream.indirect.scatter.add.f32 [tilespmem:s19], [sflag:$0x2], $0x80, s18, s21, $0xb8;
	[tilespmem:$0x1E800] =	vst v63  }
0x39: {  	_ =	swait.ge [sflag:s14], $0x4000  }
0x3a: {  	[sflag:s14] =	ssyncset.done $0x0  }
0x3b: {  	[sflag:s14] =	ssyncadd.s32 $0xFFFFC000  }
0x3c: {  	[tilespmem:s3], [sflag:$0x2] =	stream.linear.gather [hbm4b:s7+s3], $0x1400, $0x38;
	[tilespmem:$0x1E800] =	vst v63  }
0x3d: {  	_ =	swait.ge [sflag:s14], $0x1400  }
0x3e: {  	[sflag:s14] =	ssyncset.done $0x0  }
0x3f: {  	s22 =	simm.s32 $0x1400;
	[sflag:s14] =	ssyncadd.s32 $0xFFFFEC00  }
0x40: {  	[tilespmem:s22], [sflag:$0x2] =	stream.linear.gather [hbm4b:s8+s3], $0x1400, $0x38;
	[tilespmem:$0x1E800] =	vst v63  }
0x41: {  	_ =	swait.ge [sflag:s14], $0x1400  }
0x42: {  	[sflag:s14] =	ssyncset.done $0x0  }
0x43: {  	[sflag:s14] =	ssyncadd.s32 $0xFFFFEC00  }
0x44: {  	[tilespmem:s15], [sflag:$0x1] =	stream.indirect.gather [hbm4b:s4+s21], $0x80, s3, s21, $0xb8;
	[tilespmem:$0x1E800] =	vst v63  }
0x45: {  	s23 =	simm.s32 $0x4000;
	_ =	swait.ge [sflag:s16], $0x4000  }
0x46: {  	s24 =	simm.s32 $0x0;
	s23 =	sand.u32 $0x4000, s23;
	[sflag:s16] =	ssyncset.done $0x0  }
0x47: {  	s31 =	sand.u32 $0x4000, s24;
	s23 =	sor.u32 $0x2800, s23;
	[sflag:s16] =	ssyncadd.s32 $0xFFFFC000  }
0x48: {  	[tilespmem:s23], [sflag:$0x1] =	stream.indirect.gather [hbm4b:s4+s17], $0x80, s21, s17, $0xb8;
	[tilespmem:$0x1E800] =	vst v63  }
0x49: {  	s23 =	sor.u32 $0x2800, s31  }
0x4a: {  	[spmem:s1] =	stream.indirect.scatter.add.f32 [tilespmem:s23], [sflag:$0x2], $0x80, s22, s17, $0xb8;
	[tilespmem:$0x1E800] =	vst v63  }
0x4b: {  	s23 =	simm.s32 $0x8000;
	_ =	swait.ge [sflag:s14], $0x4000  }
.LBB2_4:
0x4c: {  	[sflag:s14] =	ssyncset.done $0x0  }
0x4d: {  	s22 =	sadd.s32 $0x80, s22;
	s21 =	sadd.s32 $0x80, s21;
	s24 =	smov.u32 s23  }
0x4e: {  	p0 =	sne.s32 s23, $0x9C000;
	s23 =	sadd.s32 $0x4000, s23;
	[sflag:s14] =	ssyncadd.s32 $0xFFFFC000  }
0x4f: {  	_ =	swait.ge [sflag:s16], $0x4000  }
0x50: {  	s25 =	sand.u32 $0x4000, s24;
	[sflag:s16] =	ssyncset.done $0x0  }
0x51: {  	s24 =	sadd.s32 $0xFFFFC000, s24;
	s25 =	sor.u32 $0x2800, s25;
	[sflag:s16] =	ssyncadd.s32 $0xFFFFC000  }
0x52: {  	[tilespmem:s25], [sflag:$0x1] =	stream.indirect.gather [hbm4b:s4+s17], $0x80, s21, s17, $0xb8;
	[tilespmem:$0x1E800] =	vst v63  }
.Ltmp1:
0x53: {  	_ = 	snop;
	(pc) =	sbr.rel @p0 .LBB2_4-.Ltmp1, $4  }
0x54: {  	s24 =	sand.u32 $0x4000, s24  }
0x55: {  	s24 =	sor.u32 $0x2800, s24  }
0x56: {  	[spmem:s1] =	stream.indirect.scatter.add.f32 [tilespmem:s24], [sflag:$0x2], $0x80, s22, s17, $0xb8;
	[tilespmem:$0x1E800] =	vst v63  }
0x57: {  	_ =	swait.ge [sflag:s14], $0x4000  }
0x58: {  	[sflag:s14] =	ssyncset.done $0x0  }
0x59: {  	[sflag:s14] =	ssyncadd.s32 $0xFFFFC000  }
0x5a: {  	_ =	swait.ge [sflag:s16], $0x4000  }
0x5b: {  	[sflag:s16] =	ssyncset.done $0x0  }
0x5c: {  	[sflag:s16] =	ssyncadd.s32 $0xFFFFC000  }
0x5d: {  	[spmem:s1] =	stream.indirect.scatter.add.f32 [tilespmem:s19], [sflag:$0x2], $0x80, s18, s17, $0xb8;
	[tilespmem:$0x1E800] =	vst v63  }
0x5e: {  	_ =	swait.ge [sflag:s14], $0x4000  }
0x5f: {  	s20 =	sadd.s32 $0x1, s20;
	[sflag:s14] =	ssyncset.done $0x0  }
0x60: {  	p0 =	sne.s32 s20, s10;
	[sflag:s14] =	ssyncadd.s32 $0xFFFFC000  }
.Ltmp2:
0x61: {  	[bflag:$0x0] =	sbarrier.arrive $0xFFFF;
	(pc) =	sbr.rel @p0 .LBB2_1-.Ltmp2, $4  }
0x62: {  	[hbm:s9], [sflag:s12] =	dma.local [spmem:s13], $0x2800  }
0x63: {  	_ =	swait.ge [sflag:s14], $0x2800  }
0x64: {  	[sflag:s14] =	ssyncset.done $0x0  }
0x65: {  	[sflag:s14] =	ssyncadd.s32 $0xFFFFD800  }
0x66: {  	_ =	sfence.sel $0x180000  }
0x67: {  	[bflag:$0x0] =	sbarrier.arrive $0xFFFF  }
0x68: {  	p0 =	sne.s32 s2, $0x0;
	_ =	strace $0x9000004A  }
0x69: {  	s0 =	sadd.s32 @!p0 $0x100000, s0;
	[bflag:$0x2] =	sbarrier.arrive $0xFFFF  }
0x6a: {  	[sflag:s0] =	ssyncadd.tile.s32 @!p0 $0x1;
	_ =	shalt  }
.Lfunc_end2:
_tile_overlayer_lowered:
.L_overlay_start_2:
0x6b: {  	(tag) =	ssettag $0x2  }
0x6c: {  	s0 =	rddreg [dreg:$0x0];
	s2 =	stileid.u32  }
0x6d: {  	s1 =	rddreg [dreg:$0x1];
	p0 =	sne.s32 s2, $0x0  }
0x6e: {  	s3 =	rddreg [dreg:$0x2];
	[bflag:$0x3] =	sbarrier.arrive $0xFFFF;
	s2 =	simm.s32 @!p0 $0x1C02  }
0x6f: {  	[timem:s3], [sflag:s2] =	dma.local @!p0 [hbm:s0], s1  }
0x70: {  	s0 =	simm.s32 @!p0 $0x2  }
0x71: {  	_ =	swait.ge @!p0 [sflag:s0], s1  }
0x72: {  	s1 =	ssub.s32 @!p0 $0x0, s1;
	[sflag:s0] =	ssyncset.done @!p0 $0x0  }
0x73: {  	[sflag:s0] =	ssyncadd.s32 @!p0 s1  }
0x74: {  	[bflag:$0x3] =	sbarrier.arrive $0xFFFF  }
0x75: {  	_ =	shalt  }

// kernel: kernel.15.cloned.1.call-start
scs
__scs_entry_jumppad:
0x0: {  	(pc) =	sbr.rel $0x88, $3  }
0x1: {  	(tag) =	ssettag $0x0;
	lr =	simm.s32 $0x1  }
0x2: {  	[smem:$0x3F98] =	sst lr;
	_ =	strace $0xD0000000  }
0x3: {  	_ = 	snop  }
0x4: {  	_ = 	snop  }
0x5: {  	_ = 	snop  }
0x6: {  	_ = 	snop  }
0x7: {  	_ = 	snop  }
__scs_overlays_trampoline_lowered:
0x8: {  	[smem:$0x3FA7] =	sst s0  }
0x9: {  	[smem:$0x3FA8] =	sst s1  }
0xa: {  	[smem:$0x3FA9] =	sst s2  }
0xb: {  	[smem:$0x3FAA] =	sst s3  }
0xc: {  	[smem:$0x3FAB] =	sst s4  }
0xd: {  	[smem:$0x3FAC] =	sst s5  }
0xe: {  	[smem:$0x3FAD] =	sst s6  }
0xf: {  	[smem:$0x3FAE] =	sst s7  }
0x10: {  	[smem:$0x3FAF] =	sst s8  }
0x11: {  	[smem:$0x3FB0] =	sst s9;
	s0 =	simm.s32 @!p0 $0x0  }
0x12: {  	s1 =	sld [smem:$0x3F96];
	s0 =	simm.s32 @p0 $0x1  }
0x13: {  	[smem:$0x3FB1] =	sst s0;
	s0 =	simm.s32 @!p1 $0x0  }
0x14: {  	s2 =	sld [smem:$0x3F95];
	s0 =	simm.s32 @p1 $0x1  }
0x15: {  	[smem:$0x3FB2] =	sst s0;
	s0 =	simm.s32 @!p2 $0x0  }
0x16: {  	s3 =	sld [smem:$0x3FDB];
	s0 =	simm.s32 @p2 $0x1  }
0x17: {  	s4 =	simm.s32 $0x1BF5;
	[smem:$0x3FB4] =	sst s0  }
0x18: {  	s0 =	sld [smem:$0x3F97];
	_ =	swait.ge [sflag:s4], $0x0  }
0x19: {  	s7 =	sld [smem:$0x3F98]  }
0x1a: {  	s8 =	sadd.s32 $0xFFFFE003, lr  }
0x1b: {  	s9 =	sadd.s32 $0xFFFFFEF7, lr;
	s5 =	simm.s32 $0xFFFFFFFF;
	p2 =	slt.u32 s8, $0xFFFFF086  }
0x1c: {  	p1 =	slt.u32 s9, $0xF7A;
	s5 =	simm.s32 @!p2 $0x0  }
0x1d: {  	s5 =	simm.s32 @p1 $0x1;
	p0 =	seq.s32 s7, s2  }
0x1e: {  	s7 =	smul.u32 @!p0 $0xF7A, s2;
	p2 =	seq.s32 @!p0 s5, $0x0  }
0x1f: {  	s9 =	smul.u32 $0xF7A, s1;
	s8 =	simm.s32 @!p0 $0x1BF5;
	p2 =	por !p2, p0  }
0x20: {  	[sflag:s8] =	ssyncset.s32 @!p0 $0xFFFFF086;
	s6 =	sadd.s32 @!p0 s3, s7;
	s7 =	simm.s32 @!p0 $0x108  }
0x21: {  	s3 =	sadd.s32 s3, s9;
	s6 =	sadd.s32 @!p0 $0x88, s6;
	s7 =	simm.s32 @p2 $0x1082  }
0x22: {  	[simem:s7], [sflag:s8] =	dma.local @!p0 [hbm:s6], $0xF7A  }
0x23: {  	s9 =	sor.u32 $0xD0000000, s2;
	s6 =	simm.s32 $0x108;
	_ =	swait.ge @!p0 [sflag:s8], $0x0  }
0x24: {  	s3 =	sadd.s32 $0x88, s3;
	s6 =	simm.s32 @!p1 $0x1082;
	[sflag:s4] =	ssyncset.s32 $0xFFFFF086  }
0x25: {  	[simem:s6], [sflag:s4] =	dma.local [hbm:s3], $0xF7A  }
0x26: {  	[smem:$0x3F98] =	sst s1;
	(tag) =	ssettag s2;
	_ =	strace s9  }
0x27: {  	s1 =	sld [smem:$0x3FA8]  }
0x28: {  	s2 =	sld [smem:$0x3FA9]  }
0x29: {  	s4 =	sld [smem:$0x3FAB]  }
0x2a: {  	p0 =	seq.s32 s5, $0x0;
	s5 =	sld [smem:$0x3FAC]  }
0x2b: {  	s6 =	sld [smem:$0x3FAD]  }
0x2c: {  	s7 =	sld [smem:$0x3FAE]  }
0x2d: {  	s3 =	simm.s32 $0x108;
	s8 =	sld [smem:$0x3FAF]  }
0x2e: {  	s3 =	simm.s32 @!p0 $0x1082;
	s9 =	sld [smem:$0x3FB0]  }
0x2f: {  	lr =	sadd.s32 s0, s3;
	s0 =	sld [smem:$0x3FA7]  }
0x30: {  	s3 =	sld [smem:$0x3FAA]  }
0x31: {  	[smem:$0x3FB3] =	sst s10  }
0x32: {  	s10 =	sld [smem:$0x3FB1];
	_ =	sdelay $0x3  }
0x33: {  	p0 =	seq.s32 s10, $0x1;
	s10 =	sld [smem:$0x3FB3];
	_ =	sdelay $0x3  }
0x34: {  	[smem:$0x3FB3] =	sst s10  }
0x35: {  	s10 =	sld [smem:$0x3FB2];
	_ =	sdelay $0x3  }
0x36: {  	p1 =	seq.s32 s10, $0x1;
	s10 =	sld [smem:$0x3FB3];
	_ =	sdelay $0x3  }
0x37: {  	[smem:$0x3FB3] =	sst s10  }
0x38: {  	s10 =	sld [smem:$0x3FB4]  }
0x39: {  	_ = 	snop;
	(pc) =	sbr.ind lr, $3  }
0x3a: {  	_ = 	snop  }
0x3b: {  	_ = 	snop  }
0x3c: {  	p2 =	seq.s32 s10, $0x1;
	s10 =	sld [smem:$0x3FB3]  }
0x3d: {  	_ =	shalt  }
0x3e: {  	_ =	shalt  }
0x3f: {  	_ =	shalt  }
0x40: {  	_ =	shalt  }
0x41: {  	_ =	shalt  }
0x42: {  	_ =	shalt  }
0x43: {  	_ =	shalt  }
0x44: {  	_ =	shalt  }
0x45: {  	_ =	shalt  }
0x46: {  	_ =	shalt  }
0x47: {  	_ =	shalt  }
0x48: {  	_ =	shalt  }
0x49: {  	_ =	shalt  }
0x4a: {  	_ =	shalt  }
0x4b: {  	_ =	shalt  }
0x4c: {  	_ =	shalt  }
0x4d: {  	_ =	shalt  }
0x4e: {  	_ =	shalt  }
0x4f: {  	_ =	shalt  }
0x50: {  	_ =	shalt  }
0x51: {  	_ =	shalt  }
0x52: {  	_ =	shalt  }
0x53: {  	_ =	shalt  }
0x54: {  	_ =	shalt  }
0x55: {  	_ =	shalt  }
0x56: {  	_ =	shalt  }
0x57: {  	_ =	shalt  }
0x58: {  	_ =	shalt  }
0x59: {  	_ =	shalt  }
0x5a: {  	_ =	shalt  }
0x5b: {  	_ =	shalt  }
0x5c: {  	_ =	shalt  }
0x5d: {  	_ =	shalt  }
0x5e: {  	_ =	shalt  }
0x5f: {  	_ =	shalt  }
0x60: {  	_ =	shalt  }
0x61: {  	_ =	shalt  }
0x62: {  	_ =	shalt  }
0x63: {  	_ =	shalt  }
0x64: {  	_ =	shalt  }
0x65: {  	_ =	shalt  }
0x66: {  	_ =	shalt  }
0x67: {  	_ =	shalt  }
0x68: {  	_ =	shalt  }
0x69: {  	_ =	shalt  }
0x6a: {  	_ =	shalt  }
0x6b: {  	_ =	shalt  }
0x6c: {  	_ =	shalt  }
0x6d: {  	_ =	shalt  }
0x6e: {  	_ =	shalt  }
0x6f: {  	_ =	shalt  }
0x70: {  	_ =	shalt  }
0x71: {  	_ =	shalt  }
0x72: {  	_ =	shalt  }
0x73: {  	_ =	shalt  }
0x74: {  	_ =	shalt  }
0x75: {  	_ =	shalt  }
0x76: {  	_ =	shalt  }
0x77: {  	_ =	shalt  }
0x78: {  	_ =	shalt  }
0x79: {  	_ =	shalt  }
0x7a: {  	_ =	shalt  }
0x7b: {  	_ =	shalt  }
0x7c: {  	_ =	shalt  }
0x7d: {  	_ =	shalt  }
0x7e: {  	_ =	shalt  }
0x7f: {  	_ =	shalt  }
0x80: {  	_ =	shalt  }
0x81: {  	_ =	shalt  }
0x82: {  	_ =	shalt  }
0x83: {  	_ =	shalt  }
0x84: {  	_ =	shalt  }
0x85: {  	_ =	shalt  }
0x86: {  	_ =	shalt  }
0x87: {  	_ =	shalt  }
.Lfunc_end0:
.L_simem_size_0:
called_computation.2_lowered:
.L_overlay_start_0:
0x88: {  	s2 =	sld [smem:$0x3FD9]  }
0x89: {  	s3 =	sld [smem:$0x3FFE];
	_ =	sdelay $0x1  }
0x8a: {  	s1 =	srdreg.scid  }
0x8b: {  	s0 =	sand.u32 $0x1, s1  }
0x8c: {  	s16 =	sshll.u32 s0, $0xA;
	s2 =	sadd.s32 s3, s2  }
0x8d: {  	s2 =	sadd.s32 s2, s16  }
0x8e: {  	[smem:$0x3FBF] =	sst s2  }
0x8f: {  	_ = 	snop  }
0x90: {  	(tm) =	ssettm $0x1  }
0x91: {  	s17 =	sld [smem:$0x3FFB];
	_ =	sdelay $0x3  }
0x92: {  	_ =	strace s17  }
0x93: {  	s2 =	sld [smem:$0x3FFC];
	_ =	sdelay $0x3  }
0x94: {  	_ =	strace s2  }
0x95: {  	s2 =	sld [smem:$0x3FFD];
	_ =	sdelay $0x3  }
0x96: {  	_ =	strace s2  }
0x97: {  	_ =	strace $0x8FFFFFFF  }
0x98: {  	s18 =	sld [smem:$0x3FDB];
	_ =	sdelay $0x1  }
0x99: {  	s19 =	simm.s32 $_scs_section_size  }
0x9a: {  	s4 =	simm.s32 $_size__tile_overlayer_lowered;
	s5 =	simm.s32 $_tile_overlayer_lowered  }
0x9b: {  	s22 =	simm.s32 $0x1BFF;
	s21 =	sshll.u32 s5, $0x1;
	s2 =	sadd.s32 s19, s18  }
0x9c: {  	s6 =	simm.s32 $0x0;
	s20 =	sshll.u32 s4, $0x1;
	s4 =	sadd.s32 s21, s2  }
0x9d: {  	[timem:s6], [sflag:s22] =	dma.local [hbm:s4], s20  }
0x9e: {  	_ =	swait.ge [sflag:s22], s20  }
0x9f: {  	s3 =	ssub.s32 $0x0, s20;
	[sflag:s22] =	ssyncset.done $0x0  }
0xa0: {  	[sflag:s22] =	ssyncadd.s32 s3;
	_ =	sdelay $0x1  }
0xa1: {  	s23 =	simm.s32 $0x1B8B  }
0xa2: {  	_ =	swait.ge [sflag:s23], $0x1  }
0xa3: {  	[sflag:s23] =	ssyncset.done $0x0  }
0xa4: {  	s25 =	simm.s32 $0x1B8E;
	s24 =	sld [smem:$0x3FFE];
	[sflag:s23] =	ssyncadd.s32 $0xFFFFFFFF  }
0xa5: {  	s26 =	simm.s32 $execute0_lowered;
	[smem:$0x3FD2] =	sst s25  }
0xa6: {  	s4 =	sshll.u32 s26, $0x1;
	_ =	strace $0x8000004C;
	[dreg:$0x1] =	wrdreg $0xFFFFFFFF  }
0xa7: {  	s28 =	simm.s32 $_size_execute0_lowered;
	s2 =	sadd.s32 s2, s4;
	[dreg:$0x0] =	wrdreg $0x0  }
0xa8: {  	s4 =	sshll.u32 s28, $0x1;
	[dreg:$0x2] =	wrdreg s2  }
0xa9: {  	[dreg:$0x3] =	wrdreg s4  }
0xaa: {  	[dreg:$0x4] =	wrdreg $0xC0  }
0xab: {  	_ =	task [dreg:s6], $0x5FFFF  }
0xac: {  	[dreg:$0x1] =	wrdreg $0xFFFFFFFF  }
0xad: {  	[dreg:$0x0] =	wrdreg $0x60  }
0xae: {  	[dreg:$0x2] =	wrdreg s24  }
0xaf: {  	[dreg:$0x3] =	wrdreg $0xA8000  }
0xb0: {  	[dreg:$0x4] =	wrdreg $0x9  }
0xb1: {  	_ =	task.clear_ibuf [dreg:s6], $0x5FFFF;
	_ =	strace $0x9000004C  }
0xb2: {  	s29 =	simm.s32 $0x9;
	_ =	strace $0x8000004E  }
0xb3: {  	_ =	swait.ge [sflag:s29], $0x1  }
0xb4: {  	[sflag:s29] =	ssyncadd.s32 $0xFFFFFFFF  }
0xb5: {  	_ =	strace $0x9000004E  }
0xb6: {  	_ =	sfence  }
0xb7: {  	s30 =	sld [smem:$0x0];
	_ =	sdelay $0x2  }
0xb8: {  	s31 =	sshll.u32 s1, $0xD;
	s1 =	sshrl.u32 s1, $0x2  }
0xb9: {  	s3 =	sand.u32 $0x4000, s31;
	s1 =	sadd.s32 s1, s30  }
0xba: {  	s0 =	sor.u32 s3, s0;
	s1 =	sshll.u32 s1, $0x11  }
0xbb: {  	s0 =	sor.u32 s1, s0  }
0xbc: {  	s0 =	sadd.s32 $0x8F2B, s0  }
0xbd: {  	[sflag:s0] =	ssyncadd.remote.s32 $0x1  }
0xbe: {  	_ =	sfence.sel $0xFFFF  }
0xbf: {  	[dreg:$0x0] =	wrdreg $0xFFFFFFFF;
	(pc) =	sbr.abs _section_cstart, $3  }
0xc0: {  	[dreg:$0x1] =	wrdreg $0xFFFFFFFF  }
0xc1: {  	_ =	task.clear_ibuf [dreg:s6], $0x2FFFF;
	_ =	strace $0x9FFFFFFF  }
0xc2: {  	(tm) =	ssettm $0x7FFFFFFF  }
0xc3: {  	_ =	shalt  }
tec
execute0_lowered:
.L_overlay_start_1:
0x0: {  	(tag) =	ssettag $0x1  }
0x1: {  	s5 =	rddreg [dreg:$0x0]  }
0x2: {  	s1 =	rddreg [dreg:$0x1];
	s2 =	srdreg.scid  }
0x3: {  	s0 =	rddreg [dreg:$0x2];
	s3 =	simm.s32 $0x0;
	s16 =	simm.s32 $0x1  }
0x4: {  	s17 =	simm.s32 $0x80;
	s18 =	simm.s32 $0x2780;
	s19 =	simm.s32 $0x6800  }
0x5: {  	s20 =	simm.s32 $0x0;
	s6 =	sand.u32 $0x1, s2;
	s2 =	stileid.u32  }
0x6: {  	[smem:$0x7FF] =	sst s3;
	s4 =	sadd.s32 $0x3E200, s5;
	s7 =	smul.u32 $0x140000, s6  }
0x7: {  	s9 =	sadd.s32 $0x2200, s5;
	s10 =	sadd.s32 $0xC200, s5;
	s8 =	smul.u32 $0x14000, s2  }
0x8: {  	s11 =	sadd.s32 $0x16200, s5;
	_ =	strace $0x8000004D;
	s29 =	smul.u32 $0x50000, s2  }
0x9: {  	s28 =	ssub.s32 $0x2, s6;
	p0 =	seq.s32 s6, $0x0;
	s15 =	smul.u32 $0x2800, s2  }
0xa: {  	s13 =	sshrl.u32 s28, $0x1;
	s7 =	sadd.s32 s8, s7;
	s8 =	smul.u32 $0x500, s2  }
0xb: {  	s31 =	sshll.u32 s2, $0x6;
	s11 =	smov.u32 @p0 s4;
	s13 =	ssub.s32 s28, s13  }
0xc: {  	s30 =	sshrl.u32 s29, $0x2;
	s11 =	sadd.s32 s11, s15;
	s6 =	sadd.s32 $0x5000, s8  }
0xd: {  	s15 =	simm.s32 $0x2800;
	s7 =	sshrl.u32 s7, $0x3;
	s6 =	smov.u32 @p0 s8  }
0xe: {  	s14 =	sadd.s32 s30, s1;
	s12 =	sadd.s32 s7, s5;
	s8 =	sadd.s32 $0x280, s6  }
0xf: {  	s5 =	sadd.s32 s9, s6;
	s6 =	sadd.s32 s10, s6;
	s7 =	sadd.s32 s9, s8  }
0x10: {  	s8 =	sadd.s32 s10, s8;
	s9 =	sadd.s32 $0x66200, s12;
	s10 =	smax.u32 s13, $0x1  }
0x11: {  	s12 =	sor.u32 $0x1C02, s31;
	s13 =	sshrl.u32 s14, $0x3;
	s14 =	simm.s32 $0x2  }
.LBB2_1:
0x12: {  	[spmem:s13], [sflag:s12] =	dma.local [hbm:s11], $0x2800  }
0x13: {  	_ =	swait.ge [sflag:s14], $0x2800  }
0x14: {  	[sflag:s14] =	ssyncset.done $0x0  }
0x15: {  	[sflag:s14] =	ssyncadd.s32 $0xFFFFD800  }
0x16: {  	[bflag:$0x0] =	sbarrier.arrive $0xFFFF  }
0x17: {  	[tilespmem:s3], [sflag:$0x2] =	stream.linear.gather [hbm4b:s5+s3], $0x1400, $0x38;
	[tilespmem:$0x1E800] =	vst v63  }
0x18: {  	_ =	swait.ge [sflag:s14], $0x1400  }
0x19: {  	[sflag:s14] =	ssyncset.done $0x0  }
0x1a: {  	s21 =	simm.s32 $0x1400;
	[sflag:s14] =	ssyncadd.s32 $0xFFFFEC00  }
0x1b: {  	[tilespmem:s21], [sflag:$0x2] =	stream.linear.gather [hbm4b:s6+s3], $0x1400, $0x38;
	[tilespmem:$0x1E800] =	vst v63  }
0x1c: {  	_ =	swait.ge [sflag:s14], $0x1400  }
0x1d: {  	[sflag:s14] =	ssyncset.done $0x0  }
0x1e: {  	[sflag:s14] =	ssyncadd.s32 $0xFFFFEC00  }
0x1f: {  	[tilespmem:s15], [sflag:$0x1] =	stream.indirect.gather [hbm4b:s4+s17], $0x80, s3, s17, $0xb8;
	[tilespmem:$0x1E800] =	vst v63  }
0x20: {  	s22 =	simm.s32 $0x4000;
	_ =	swait.ge [sflag:s16], $0x4000  }
0x21: {  	s23 =	simm.s32 $0x0;
	s22 =	sand.u32 $0x4000, s22;
	[sflag:s16] =	ssyncset.done $0x0  }
0x22: {  	s31 =	sand.u32 $0x4000, s23;
	s22 =	sor.u32 $0x2800, s22;
	[sflag:s16] =	ssyncadd.s32 $0xFFFFC000  }
0x23: {  	[tilespmem:s22], [sflag:$0x1] =	stream.indirect.gather [hbm4b:s4+s17], $0x80, s17, s17, $0xb8;
	[tilespmem:$0x1E800] =	vst v63  }
0x24: {  	s22 =	sor.u32 $0x2800, s31  }
0x25: {  	[spmem:s1] =	stream.indirect.scatter.add.f32 [tilespmem:s22], [sflag:$0x2], $0x80, s21, s17, $0xb8;
	[tilespmem:$0x1E800] =	vst v63  }
0x26: {  	s23 =	simm.s32 $0x80;
	s22 =	simm.s32 $0x8000;
	_ =	swait.ge [sflag:s14], $0x4000  }
.LBB2_2:
0x27: {  	[sflag:s14] =	ssyncset.done $0x0  }
0x28: {  	s21 =	sadd.s32 $0x80, s21;
	s23 =	sadd.s32 $0x80, s23;
	s24 =	smov.u32 s22  }
0x29: {  	p0 =	sne.s32 s22, $0x9C000;
	s22 =	sadd.s32 $0x4000, s22;
	[sflag:s14] =	ssyncadd.s32 $0xFFFFC000  }
0x2a: {  	_ =	swait.ge [sflag:s16], $0x4000  }
0x2b: {  	s25 =	sand.u32 $0x4000, s24;
	[sflag:s16] =	ssyncset.done $0x0  }
0x2c: {  	s24 =	sadd.s32 $0xFFFFC000, s24;
	s25 =	sor.u32 $0x2800, s25;
	[sflag:s16] =	ssyncadd.s32 $0xFFFFC000  }
0x2d: {  	[tilespmem:s25], [sflag:$0x1] =	stream.indirect.gather [hbm4b:s4+s17], $0x80, s23, s17, $0xb8;
	[tilespmem:$0x1E800] =	vst v63  }
.Ltmp0:
0x2e: {  	_ = 	snop;
	(pc) =	sbr.rel @p0 .LBB2_2-.Ltmp0, $4  }
0x2f: {  	s24 =	sand.u32 $0x4000, s24  }
0x30: {  	s24 =	sor.u32 $0x2800, s24  }
0x31: {  	[spmem:s1] =	stream.indirect.scatter.add.f32 [tilespmem:s24], [sflag:$0x2], $0x80, s21, s17, $0xb8;
	[tilespmem:$0x1E800] =	vst v63  }
0x32: {  	_ =	swait.ge [sflag:s14], $0x4000  }
0x33: {  	[sflag:s14] =	ssyncset.done $0x0  }
0x34: {  	[sflag:s14] =	ssyncadd.s32 $0xFFFFC000  }
0x35: {  	_ =	swait.ge [sflag:s16], $0x4000  }
0x36: {  	[sflag:s16] =	ssyncset.done $0x0  }
0x37: {  	s21 =	simm.s32 $0x80;
	[sflag:s16] =	ssyncadd.s32 $0xFFFFC000  }
0x38: {  	[spmem:s1] =	stream.indirect.scatter.add.f32 [tilespmem:s19], [sflag:$0x2], $0x80, s18, s21, $0xb8;
	[tilespmem:$0x1E800] =	vst v63  }
0x39: {  	_ =	swait.ge [sflag:s14], $0x4000  }
0x3a: {  	[sflag:s14] =	ssyncset.done $0x0  }
0x3b: {  	[sflag:s14] =	ssyncadd.s32 $0xFFFFC000  }
0x3c: {  	[tilespmem:s3], [sflag:$0x2] =	stream.linear.gather [hbm4b:s7+s3], $0x1400, $0x38;
	[tilespmem:$0x1E800] =	vst v63  }
0x3d: {  	_ =	swait.ge [sflag:s14], $0x1400  }
0x3e: {  	[sflag:s14] =	ssyncset.done $0x0  }
0x3f: {  	s22 =	simm.s32 $0x1400;
	[sflag:s14] =	ssyncadd.s32 $0xFFFFEC00  }
0x40: {  	[tilespmem:s22], [sflag:$0x2] =	stream.linear.gather [hbm4b:s8+s3], $0x1400, $0x38;
	[tilespmem:$0x1E800] =	vst v63  }
0x41: {  	_ =	swait.ge [sflag:s14], $0x1400  }
0x42: {  	[sflag:s14] =	ssyncset.done $0x0  }
0x43: {  	[sflag:s14] =	ssyncadd.s32 $0xFFFFEC00  }
0x44: {  	[tilespmem:s15], [sflag:$0x1] =	stream.indirect.gather [hbm4b:s4+s21], $0x80, s3, s21, $0xb8;
	[tilespmem:$0x1E800] =	vst v63  }
0x45: {  	s23 =	simm.s32 $0x4000;
	_ =	swait.ge [sflag:s16], $0x4000  }
0x46: {  	s24 =	simm.s32 $0x0;
	s23 =	sand.u32 $0x4000, s23;
	[sflag:s16] =	ssyncset.done $0x0  }
0x47: {  	s31 =	sand.u32 $0x4000, s24;
	s23 =	sor.u32 $0x2800, s23;
	[sflag:s16] =	ssyncadd.s32 $0xFFFFC000  }
0x48: {  	[tilespmem:s23], [sflag:$0x1] =	stream.indirect.gather [hbm4b:s4+s17], $0x80, s21, s17, $0xb8;
	[tilespmem:$0x1E800] =	vst v63  }
0x49: {  	s23 =	sor.u32 $0x2800, s31  }
0x4a: {  	[spmem:s1] =	stream.indirect.scatter.add.f32 [tilespmem:s23], [sflag:$0x2], $0x80, s22, s17, $0xb8;
	[tilespmem:$0x1E800] =	vst v63  }
0x4b: {  	s23 =	simm.s32 $0x8000;
	_ =	swait.ge [sflag:s14], $0x4000  }
.LBB2_4:
0x4c: {  	[sflag:s14] =	ssyncset.done $0x0  }
0x4d: {  	s22 =	sadd.s32 $0x80, s22;
	s21 =	sadd.s32 $0x80, s21;
	s24 =	smov.u32 s23  }
0x4e: {  	p0 =	sne.s32 s23, $0x9C000;
	s23 =	sadd.s32 $0x4000, s23;
	[sflag:s14] =	ssyncadd.s32 $0xFFFFC000  }
0x4f: {  	_ =	swait.ge [sflag:s16], $0x4000  }
0x50: {  	s25 =	sand.u32 $0x4000, s24;
	[sflag:s16] =	ssyncset.done $0x0  }
0x51: {  	s24 =	sadd.s32 $0xFFFFC000, s24;
	s25 =	sor.u32 $0x2800, s25;
	[sflag:s16] =	ssyncadd.s32 $0xFFFFC000  }
0x52: {  	[tilespmem:s25], [sflag:$0x1] =	stream.indirect.gather [hbm4b:s4+s17], $0x80, s21, s17, $0xb8;
	[tilespmem:$0x1E800] =	vst v63  }
.Ltmp1:
0x53: {  	_ = 	snop;
	(pc) =	sbr.rel @p0 .LBB2_4-.Ltmp1, $4  }
0x54: {  	s24 =	sand.u32 $0x4000, s24  }
0x55: {  	s24 =	sor.u32 $0x2800, s24  }
0x56: {  	[spmem:s1] =	stream.indirect.scatter.add.f32 [tilespmem:s24], [sflag:$0x2], $0x80, s22, s17, $0xb8;
	[tilespmem:$0x1E800] =	vst v63  }
0x57: {  	_ =	swait.ge [sflag:s14], $0x4000  }
0x58: {  	[sflag:s14] =	ssyncset.done $0x0  }
0x59: {  	[sflag:s14] =	ssyncadd.s32 $0xFFFFC000  }
0x5a: {  	_ =	swait.ge [sflag:s16], $0x4000  }
0x5b: {  	[sflag:s16] =	ssyncset.done $0x0  }
0x5c: {  	[sflag:s16] =	ssyncadd.s32 $0xFFFFC000  }
0x5d: {  	[spmem:s1] =	stream.indirect.scatter.add.f32 [tilespmem:s19], [sflag:$0x2], $0x80, s18, s17, $0xb8;
	[tilespmem:$0x1E800] =	vst v63  }
0x5e: {  	_ =	swait.ge [sflag:s14], $0x4000  }
0x5f: {  	s20 =	sadd.s32 $0x1, s20;
	[sflag:s14] =	ssyncset.done $0x0  }
0x60: {  	p0 =	sne.s32 s20, s10;
	[sflag:s14] =	ssyncadd.s32 $0xFFFFC000  }
.Ltmp2:
0x61: {  	[bflag:$0x0] =	sbarrier.arrive $0xFFFF;
	(pc) =	sbr.rel @p0 .LBB2_1-.Ltmp2, $4  }
0x62: {  	[hbm:s9], [sflag:s12] =	dma.local [spmem:s13], $0x2800  }
0x63: {  	_ =	swait.ge [sflag:s14], $0x2800  }
0x64: {  	[sflag:s14] =	ssyncset.done $0x0  }
0x65: {  	[sflag:s14] =	ssyncadd.s32 $0xFFFFD800  }
0x66: {  	_ =	sfence.sel $0x180000  }
0x67: {  	[bflag:$0x0] =	sbarrier.arrive $0xFFFF  }
0x68: {  	p0 =	sne.s32 s2, $0x0;
	_ =	strace $0x9000004D  }
0x69: {  	s0 =	sadd.s32 @!p0 $0x100000, s0;
	[bflag:$0x2] =	sbarrier.arrive $0xFFFF  }
0x6a: {  	[sflag:s0] =	ssyncadd.tile.s32 @!p0 $0x1;
	_ =	shalt  }
.Lfunc_end2:
_tile_overlayer_lowered:
.L_overlay_start_2:
0x6b: {  	(tag) =	ssettag $0x2  }
0x6c: {  	s0 =	rddreg [dreg:$0x0];
	s2 =	stileid.u32  }
0x6d: {  	s1 =	rddreg [dreg:$0x1];
	p0 =	sne.s32 s2, $0x0  }
0x6e: {  	s3 =	rddreg [dreg:$0x2];
	[bflag:$0x3] =	sbarrier.arrive $0xFFFF;
	s2 =	simm.s32 @!p0 $0x1C02  }
0x6f: {  	[timem:s3], [sflag:s2] =	dma.local @!p0 [hbm:s0], s1  }
0x70: {  	s0 =	simm.s32 @!p0 $0x2  }
0x71: {  	_ =	swait.ge @!p0 [sflag:s0], s1  }
0x72: {  	s1 =	ssub.s32 @!p0 $0x0, s1;
	[sflag:s0] =	ssyncset.done @!p0 $0x0  }
0x73: {  	[sflag:s0] =	ssyncadd.s32 @!p0 s1  }
0x74: {  	[bflag:$0x3] =	sbarrier.arrive $0xFFFF  }
0x75: {  	_ =	shalt  }

// kernel: kernel.9.cloned.1.call-start
scs
__scs_entry_jumppad:
0x0: {  	(pc) =	sbr.rel $0x88, $3  }
0x1: {  	(tag) =	ssettag $0x0;
	lr =	simm.s32 $0x1  }
0x2: {  	[smem:$0x3F98] =	sst lr;
	_ =	strace $0xD0000000  }
0x3: {  	_ = 	snop  }
0x4: {  	_ = 	snop  }
0x5: {  	_ = 	snop  }
0x6: {  	_ = 	snop  }
0x7: {  	_ = 	snop  }
__scs_overlays_trampoline_lowered:
0x8: {  	[smem:$0x3FA7] =	sst s0  }
0x9: {  	[smem:$0x3FA8] =	sst s1  }
0xa: {  	[smem:$0x3FA9] =	sst s2  }
0xb: {  	[smem:$0x3FAA] =	sst s3  }
0xc: {  	[smem:$0x3FAB] =	sst s4  }
0xd: {  	[smem:$0x3FAC] =	sst s5  }
0xe: {  	[smem:$0x3FAD] =	sst s6  }
0xf: {  	[smem:$0x3FAE] =	sst s7  }
0x10: {  	[smem:$0x3FAF] =	sst s8  }
0x11: {  	[smem:$0x3FB0] =	sst s9;
	s0 =	simm.s32 @!p0 $0x0  }
0x12: {  	s1 =	sld [smem:$0x3F96];
	s0 =	simm.s32 @p0 $0x1  }
0x13: {  	[smem:$0x3FB1] =	sst s0;
	s0 =	simm.s32 @!p1 $0x0  }
0x14: {  	s2 =	sld [smem:$0x3F95];
	s0 =	simm.s32 @p1 $0x1  }
0x15: {  	[smem:$0x3FB2] =	sst s0;
	s0 =	simm.s32 @!p2 $0x0  }
0x16: {  	s3 =	sld [smem:$0x3FDB];
	s0 =	simm.s32 @p2 $0x1  }
0x17: {  	s4 =	simm.s32 $0x1BF5;
	[smem:$0x3FB4] =	sst s0  }
0x18: {  	s0 =	sld [smem:$0x3F97];
	_ =	swait.ge [sflag:s4], $0x0  }
0x19: {  	s7 =	sld [smem:$0x3F98]  }
0x1a: {  	s8 =	sadd.s32 $0xFFFFE003, lr  }
0x1b: {  	s9 =	sadd.s32 $0xFFFFFEF7, lr;
	s5 =	simm.s32 $0xFFFFFFFF;
	p2 =	slt.u32 s8, $0xFFFFF086  }
0x1c: {  	p1 =	slt.u32 s9, $0xF7A;
	s5 =	simm.s32 @!p2 $0x0  }
0x1d: {  	s5 =	simm.s32 @p1 $0x1;
	p0 =	seq.s32 s7, s2  }
0x1e: {  	s7 =	smul.u32 @!p0 $0xF7A, s2;
	p2 =	seq.s32 @!p0 s5, $0x0  }
0x1f: {  	s9 =	smul.u32 $0xF7A, s1;
	s8 =	simm.s32 @!p0 $0x1BF5;
	p2 =	por !p2, p0  }
0x20: {  	[sflag:s8] =	ssyncset.s32 @!p0 $0xFFFFF086;
	s6 =	sadd.s32 @!p0 s3, s7;
	s7 =	simm.s32 @!p0 $0x108  }
0x21: {  	s3 =	sadd.s32 s3, s9;
	s6 =	sadd.s32 @!p0 $0x88, s6;
	s7 =	simm.s32 @p2 $0x1082  }
0x22: {  	[simem:s7], [sflag:s8] =	dma.local @!p0 [hbm:s6], $0xF7A  }
0x23: {  	s9 =	sor.u32 $0xD0000000, s2;
	s6 =	simm.s32 $0x108;
	_ =	swait.ge @!p0 [sflag:s8], $0x0  }
0x24: {  	s3 =	sadd.s32 $0x88, s3;
	s6 =	simm.s32 @!p1 $0x1082;
	[sflag:s4] =	ssyncset.s32 $0xFFFFF086  }
0x25: {  	[simem:s6], [sflag:s4] =	dma.local [hbm:s3], $0xF7A  }
0x26: {  	[smem:$0x3F98] =	sst s1;
	(tag) =	ssettag s2;
	_ =	strace s9  }
0x27: {  	s1 =	sld [smem:$0x3FA8]  }
0x28: {  	s2 =	sld [smem:$0x3FA9]  }
0x29: {  	s4 =	sld [smem:$0x3FAB]  }
0x2a: {  	p0 =	seq.s32 s5, $0x0;
	s5 =	sld [smem:$0x3FAC]  }
0x2b: {  	s6 =	sld [smem:$0x3FAD]  }
0x2c: {  	s7 =	sld [smem:$0x3FAE]  }
0x2d: {  	s3 =	simm.s32 $0x108;
	s8 =	sld [smem:$0x3FAF]  }
0x2e: {  	s3 =	simm.s32 @!p0 $0x1082;
	s9 =	sld [smem:$0x3FB0]  }
0x2f: {  	lr =	sadd.s32 s0, s3;
	s0 =	sld [smem:$0x3FA7]  }
0x30: {  	s3 =	sld [smem:$0x3FAA]  }
0x31: {  	[smem:$0x3FB3] =	sst s10  }
0x32: {  	s10 =	sld [smem:$0x3FB1];
	_ =	sdelay $0x3  }
0x33: {  	p0 =	seq.s32 s10, $0x1;
	s10 =	sld [smem:$0x3FB3];
	_ =	sdelay $0x3  }
0x34: {  	[smem:$0x3FB3] =	sst s10  }
0x35: {  	s10 =	sld [smem:$0x3FB2];
	_ =	sdelay $0x3  }
0x36: {  	p1 =	seq.s32 s10, $0x1;
	s10 =	sld [smem:$0x3FB3];
	_ =	sdelay $0x3  }
0x37: {  	[smem:$0x3FB3] =	sst s10  }
0x38: {  	s10 =	sld [smem:$0x3FB4]  }
0x39: {  	_ = 	snop;
	(pc) =	sbr.ind lr, $3  }
0x3a: {  	_ = 	snop  }
0x3b: {  	_ = 	snop  }
0x3c: {  	p2 =	seq.s32 s10, $0x1;
	s10 =	sld [smem:$0x3FB3]  }
0x3d: {  	_ =	shalt  }
0x3e: {  	_ =	shalt  }
0x3f: {  	_ =	shalt  }
0x40: {  	_ =	shalt  }
0x41: {  	_ =	shalt  }
0x42: {  	_ =	shalt  }
0x43: {  	_ =	shalt  }
0x44: {  	_ =	shalt  }
0x45: {  	_ =	shalt  }
0x46: {  	_ =	shalt  }
0x47: {  	_ =	shalt  }
0x48: {  	_ =	shalt  }
0x49: {  	_ =	shalt  }
0x4a: {  	_ =	shalt  }
0x4b: {  	_ =	shalt  }
0x4c: {  	_ =	shalt  }
0x4d: {  	_ =	shalt  }
0x4e: {  	_ =	shalt  }
0x4f: {  	_ =	shalt  }
0x50: {  	_ =	shalt  }
0x51: {  	_ =	shalt  }
0x52: {  	_ =	shalt  }
0x53: {  	_ =	shalt  }
0x54: {  	_ =	shalt  }
0x55: {  	_ =	shalt  }
0x56: {  	_ =	shalt  }
0x57: {  	_ =	shalt  }
0x58: {  	_ =	shalt  }
0x59: {  	_ =	shalt  }
0x5a: {  	_ =	shalt  }
0x5b: {  	_ =	shalt  }
0x5c: {  	_ =	shalt  }
0x5d: {  	_ =	shalt  }
0x5e: {  	_ =	shalt  }
0x5f: {  	_ =	shalt  }
0x60: {  	_ =	shalt  }
0x61: {  	_ =	shalt  }
0x62: {  	_ =	shalt  }
0x63: {  	_ =	shalt  }
0x64: {  	_ =	shalt  }
0x65: {  	_ =	shalt  }
0x66: {  	_ =	shalt  }
0x67: {  	_ =	shalt  }
0x68: {  	_ =	shalt  }
0x69: {  	_ =	shalt  }
0x6a: {  	_ =	shalt  }
0x6b: {  	_ =	shalt  }
0x6c: {  	_ =	shalt  }
0x6d: {  	_ =	shalt  }
0x6e: {  	_ =	shalt  }
0x6f: {  	_ =	shalt  }
0x70: {  	_ =	shalt  }
0x71: {  	_ =	shalt  }
0x72: {  	_ =	shalt  }
0x73: {  	_ =	shalt  }
0x74: {  	_ =	shalt  }
0x75: {  	_ =	shalt  }
0x76: {  	_ =	shalt  }
0x77: {  	_ =	shalt  }
0x78: {  	_ =	shalt  }
0x79: {  	_ =	shalt  }
0x7a: {  	_ =	shalt  }
0x7b: {  	_ =	shalt  }
0x7c: {  	_ =	shalt  }
0x7d: {  	_ =	shalt  }
0x7e: {  	_ =	shalt  }
0x7f: {  	_ =	shalt  }
0x80: {  	_ =	shalt  }
0x81: {  	_ =	shalt  }
0x82: {  	_ =	shalt  }
0x83: {  	_ =	shalt  }
0x84: {  	_ =	shalt  }
0x85: {  	_ =	shalt  }
0x86: {  	_ =	shalt  }
0x87: {  	_ =	shalt  }
.Lfunc_end0:
.L_simem_size_0:
called_computation_lowered:
.L_overlay_start_0:
0x88: {  	s2 =	sld [smem:$0x3FD9]  }
0x89: {  	s3 =	sld [smem:$0x3FFE];
	_ =	sdelay $0x1  }
0x8a: {  	s1 =	srdreg.scid  }
0x8b: {  	s0 =	sand.u32 $0x1, s1  }
0x8c: {  	s16 =	sshll.u32 s0, $0xA;
	s2 =	sadd.s32 s3, s2  }
0x8d: {  	s2 =	sadd.s32 s2, s16  }
0x8e: {  	[smem:$0x3FBF] =	sst s2  }
0x8f: {  	_ = 	snop  }
0x90: {  	(tm) =	ssettm $0x1  }
0x91: {  	s17 =	sld [smem:$0x3FFB];
	_ =	sdelay $0x3  }
0x92: {  	_ =	strace s17  }
0x93: {  	s2 =	sld [smem:$0x3FFC];
	_ =	sdelay $0x3  }
0x94: {  	_ =	strace s2  }
0x95: {  	s2 =	sld [smem:$0x3FFD];
	_ =	sdelay $0x3  }
0x96: {  	_ =	strace s2  }
0x97: {  	_ =	strace $0x8FFFFFFF  }
0x98: {  	s18 =	sld [smem:$0x3FDB];
	_ =	sdelay $0x1  }
0x99: {  	s19 =	simm.s32 $_scs_section_size  }
0x9a: {  	s4 =	simm.s32 $_size__tile_overlayer_lowered;
	s5 =	simm.s32 $_tile_overlayer_lowered  }
0x9b: {  	s22 =	simm.s32 $0x1BFF;
	s21 =	sshll.u32 s5, $0x1;
	s2 =	sadd.s32 s19, s18  }
0x9c: {  	s6 =	simm.s32 $0x0;
	s20 =	sshll.u32 s4, $0x1;
	s4 =	sadd.s32 s21, s2  }
0x9d: {  	[timem:s6], [sflag:s22] =	dma.local [hbm:s4], s20  }
0x9e: {  	_ =	swait.ge [sflag:s22], s20  }
0x9f: {  	s3 =	ssub.s32 $0x0, s20;
	[sflag:s22] =	ssyncset.done $0x0  }
0xa0: {  	[sflag:s22] =	ssyncadd.s32 s3;
	_ =	sdelay $0x1  }
0xa1: {  	s23 =	simm.s32 $0x1B8B  }
0xa2: {  	_ =	swait.ge [sflag:s23], $0x1  }
0xa3: {  	[sflag:s23] =	ssyncset.done $0x0  }
0xa4: {  	s25 =	simm.s32 $0x1B8E;
	s24 =	sld [smem:$0x3FFE];
	[sflag:s23] =	ssyncadd.s32 $0xFFFFFFFF  }
0xa5: {  	s26 =	simm.s32 $execute0_lowered;
	[smem:$0x3FD2] =	sst s25  }
0xa6: {  	s4 =	sshll.u32 s26, $0x1;
	_ =	strace $0x80000046;
	[dreg:$0x1] =	wrdreg $0xFFFFFFFF  }
0xa7: {  	s28 =	simm.s32 $_size_execute0_lowered;
	s2 =	sadd.s32 s2, s4;
	[dreg:$0x0] =	wrdreg $0x0  }
0xa8: {  	s4 =	sshll.u32 s28, $0x1;
	[dreg:$0x2] =	wrdreg s2  }
0xa9: {  	[dreg:$0x3] =	wrdreg s4  }
0xaa: {  	[dreg:$0x4] =	wrdreg $0xC0  }
0xab: {  	_ =	task [dreg:s6], $0x5FFFF  }
0xac: {  	[dreg:$0x1] =	wrdreg $0xFFFFFFFF  }
0xad: {  	[dreg:$0x0] =	wrdreg $0x60  }
0xae: {  	[dreg:$0x2] =	wrdreg s24  }
0xaf: {  	[dreg:$0x3] =	wrdreg $0x68000  }
0xb0: {  	[dreg:$0x4] =	wrdreg $0x9  }
0xb1: {  	_ =	task.clear_ibuf [dreg:s6], $0x5FFFF;
	_ =	strace $0x90000046  }
0xb2: {  	s29 =	simm.s32 $0x9;
	_ =	strace $0x80000048  }
0xb3: {  	_ =	swait.ge [sflag:s29], $0x1  }
0xb4: {  	[sflag:s29] =	ssyncadd.s32 $0xFFFFFFFF  }
0xb5: {  	_ =	strace $0x90000048  }
0xb6: {  	_ =	sfence  }
0xb7: {  	s30 =	sld [smem:$0x0];
	_ =	sdelay $0x2  }
0xb8: {  	s31 =	sshll.u32 s1, $0xD;
	s1 =	sshrl.u32 s1, $0x2  }
0xb9: {  	s3 =	sand.u32 $0x4000, s31;
	s1 =	sadd.s32 s1, s30  }
0xba: {  	s0 =	sor.u32 s3, s0;
	s1 =	sshll.u32 s1, $0x11  }
0xbb: {  	s0 =	sor.u32 s1, s0  }
0xbc: {  	s0 =	sadd.s32 $0x8F2B, s0  }
0xbd: {  	[sflag:s0] =	ssyncadd.remote.s32 $0x1  }
0xbe: {  	_ =	sfence.sel $0xFFFF  }
0xbf: {  	[dreg:$0x0] =	wrdreg $0xFFFFFFFF;
	(pc) =	sbr.abs _section_cstart, $3  }
0xc0: {  	[dreg:$0x1] =	wrdreg $0xFFFFFFFF  }
0xc1: {  	_ =	task.clear_ibuf [dreg:s6], $0x2FFFF;
	_ =	strace $0x9FFFFFFF  }
0xc2: {  	(tm) =	ssettm $0x7FFFFFFF  }
0xc3: {  	_ =	shalt  }
tec
execute0_lowered:
.L_overlay_start_1:
0x0: {  	(tag) =	ssettag $0x1  }
0x1: {  	s1 =	srdreg.scid  }
0x2: {  	s0 =	stileid.u32;
	s6 =	rddreg [dreg:$0x0]  }
0x3: {  	s2 =	rddreg [dreg:$0x1];
	s3 =	simm.s32 $0x0;
	s14 =	simm.s32 $0x1  }
0x4: {  	s15 =	simm.s32 $0x0;
	s5 =	sand.u32 $0x1, s1;
	s7 =	smul.u32 $0x14000, s0  }
0x5: {  	s26 =	sshll.u32 s0, $0x1;
	[smem:$0x7FF] =	sst s3;
	s28 =	smul.u32 $0x50000, s0  }
0x6: {  	s31 =	sshll.u32 s0, $0x6;
	s1 =	sor.u32 s5, s26;
	s8 =	smul.u32 $0x140000, s5  }
0x7: {  	s5 =	ssub.s32 $0x2, s5;
	s4 =	smul.u32 $0x500, s1;
	s1 =	rddreg [dreg:$0x2]  }
0x8: {  	_ =	strace $0x80000047;
	s10 =	sshrl.u32 s7, $0x3;
	s29 =	sshrl.u32 s5, $0x1  }
0x9: {  	s30 =	sshrl.u32 s28, $0x2;
	s7 =	sadd.s32 s7, s8;
	s10 =	sadd.s32 s10, s6  }
0xa: {  	s12 =	ssub.s32 s5, s29;
	s13 =	sadd.s32 s30, s2;
	s9 =	sadd.s32 s4, s6  }
0xb: {  	s4 =	sadd.s32 $0x3E200, s6;
	s7 =	sshrl.u32 s7, $0x3;
	s5 =	sadd.s32 $0x16200, s10  }
0xc: {  	s10 =	sshrl.u32 s13, $0x3;
	s13 =	simm.s32 $0x80;
	s11 =	sadd.s32 s7, s6  }
0xd: {  	s6 =	sor.u32 $0x1C02, s31;
	s7 =	sadd.s32 $0xC200, s9;
	s9 =	smax.u32 s12, $0x1  }
0xe: {  	s12 =	simm.s32 $0x2800;
	s8 =	sadd.s32 $0x3EA00, s11;
	s11 =	simm.s32 $0x2  }
.LBB2_1:
0xf: {  	[spmem:s10], [sflag:s6] =	dma.local [hbm:s5], $0x2800  }
0x10: {  	_ =	swait.ge [sflag:s11], $0x2800  }
0x11: {  	[sflag:s11] =	ssyncset.done $0x0  }
0x12: {  	[sflag:s11] =	ssyncadd.s32 $0xFFFFD800  }
0x13: {  	[tilespmem:s12], [sflag:$0x2] =	stream.linear.gather [hbm4b:s4+s3], $0x4000, $0x38;
	[tilespmem:$0x1A800] =	vst v63  }
0x14: {  	_ =	swait.ge [sflag:s11], $0x4000  }
0x15: {  	[sflag:s11] =	ssyncset.done $0x0  }
0x16: {  	[sflag:s11] =	ssyncadd.s32 $0xFFFFC000  }
0x17: {  	[tilespmem:s3], [sflag:$0x2] =	stream.linear.gather [hbm4b:s7+s3], $0x2800, $0x38;
	[tilespmem:$0x1A800] =	vst v63  }
0x18: {  	_ =	swait.ge [sflag:s11], $0x2800  }
0x19: {  	[sflag:s11] =	ssyncset.done $0x0  }
0x1a: {  	p0 =	por $0x1, $0x1;
	[sflag:s11] =	ssyncadd.s32 $0xFFFFD800  }
0x1b: {  	s18 =	simm.s32 @!p0 $0x1;
	[bflag:$0x0] =	sbarrier.arrive $0xFFFF  }
0x1c: {  	[spmem:s2] =	stream.indirect.scatter.add.f32 [tilespmem:s12], [sflag:$0x1], $0x80, s3, s13, $0xb8;
	[tilespmem:$0x1A800] =	vst v63  }
0x1d: {  	_ =	swait.ge @!p0 [sflag:s18], $0x4000  }
0x1e: {  	s16 =	simm.s32 $0x1;
	s17 =	simm.s32 $0x0;
	[sflag:s18] =	ssyncset.done @!p0 $0x0  }
.LBB2_2:
0x1f: {  	[sflag:s18] =	ssyncadd.s32 @!p0 $0xFFFFC000  }
0x20: {  	s17 =	sadd.s32 $0x80, s17;
	s18 =	smov.u32 s16;
	s16 =	sadd.s32 $0x1, s16  }
0x21: {  	p1 =	sne.s32 s16, $0x50  }
0x22: {  	[spmem:s2] =	stream.indirect.scatter.add.f32 [tilespmem:s12], [sflag:$0x1], $0x80, s17, s13, $0xb8;
	[tilespmem:$0x1A800] =	vst v63  }
.Ltmp0:
0x23: {  	_ = 	snop;
	(pc) =	sbr.rel @p1 .LBB2_2-.Ltmp0, $4  }
0x24: {  	p0 =	slt.u32 s18, $0x8  }
0x25: {  	s18 =	simm.s32 @!p0 $0x1  }
0x26: {  	_ =	swait.ge @!p0 [sflag:s18], $0x4000  }
0x27: {  	[sflag:s18] =	ssyncset.done @!p0 $0x0  }
0x28: {  	[sflag:s18] =	ssyncadd.s32 @!p0 $0xFFFFC000  }
0x29: {  	_ =	swait.ge [sflag:s14], $0x4000  }
0x2a: {  	[sflag:s14] =	ssyncset.done $0x0  }
0x2b: {  	[sflag:s14] =	ssyncadd.s32 $0xFFFFC000  }
0x2c: {  	_ =	swait.ge [sflag:s14], $0x4000  }
0x2d: {  	[sflag:s14] =	ssyncset.done $0x0  }
0x2e: {  	[sflag:s14] =	ssyncadd.s32 $0xFFFFC000  }
0x2f: {  	_ =	swait.ge [sflag:s14], $0x4000  }
0x30: {  	[sflag:s14] =	ssyncset.done $0x0  }
0x31: {  	[sflag:s14] =	ssyncadd.s32 $0xFFFFC000  }
0x32: {  	_ =	swait.ge [sflag:s14], $0x4000  }
0x33: {  	[sflag:s14] =	ssyncset.done $0x0  }
0x34: {  	[sflag:s14] =	ssyncadd.s32 $0xFFFFC000  }
0x35: {  	_ =	swait.ge [sflag:s14], $0x4000  }
0x36: {  	[sflag:s14] =	ssyncset.done $0x0  }
0x37: {  	[sflag:s14] =	ssyncadd.s32 $0xFFFFC000  }
0x38: {  	_ =	swait.ge [sflag:s14], $0x4000  }
0x39: {  	[sflag:s14] =	ssyncset.done $0x0  }
0x3a: {  	[sflag:s14] =	ssyncadd.s32 $0xFFFFC000  }
0x3b: {  	_ =	swait.ge [sflag:s14], $0x4000  }
0x3c: {  	[sflag:s14] =	ssyncset.done $0x0  }
0x3d: {  	[sflag:s14] =	ssyncadd.s32 $0xFFFFC000  }
0x3e: {  	_ =	swait.ge [sflag:s14], $0x4000  }
0x3f: {  	s15 =	sadd.s32 $0x1, s15;
	[sflag:s14] =	ssyncset.done $0x0  }
0x40: {  	p0 =	sne.s32 s15, s9;
	[sflag:s14] =	ssyncadd.s32 $0xFFFFC000  }
.Ltmp1:
0x41: {  	[bflag:$0x0] =	sbarrier.arrive $0xFFFF;
	(pc) =	sbr.rel @p0 .LBB2_1-.Ltmp1, $4  }
0x42: {  	[hbm:s8], [sflag:s6] =	dma.local [spmem:s10], $0x2800  }
0x43: {  	_ =	swait.ge [sflag:s11], $0x2800  }
0x44: {  	[sflag:s11] =	ssyncset.done $0x0  }
0x45: {  	[sflag:s11] =	ssyncadd.s32 $0xFFFFD800  }
0x46: {  	_ =	sfence.sel $0x180000  }
0x47: {  	[bflag:$0x0] =	sbarrier.arrive $0xFFFF  }
0x48: {  	p0 =	sne.s32 s0, $0x0;
	_ =	strace $0x90000047  }
0x49: {  	s0 =	sadd.s32 @!p0 $0x100000, s1;
	[bflag:$0x2] =	sbarrier.arrive $0xFFFF  }
0x4a: {  	[sflag:s0] =	ssyncadd.tile.s32 @!p0 $0x1;
	_ =	shalt  }
.Lfunc_end2:
_tile_overlayer_lowered:
.L_overlay_start_2:
0x4b: {  	(tag) =	ssettag $0x2  }
0x4c: {  	s0 =	rddreg [dreg:$0x0];
	s2 =	stileid.u32  }
0x4d: {  	s1 =	rddreg [dreg:$0x1];
	p0 =	sne.s32 s2, $0x0  }
0x4e: {  	s3 =	rddreg [dreg:$0x2];
	[bflag:$0x3] =	sbarrier.arrive $0xFFFF;
	s2 =	simm.s32 @!p0 $0x1C02  }
0x4f: {  	[timem:s3], [sflag:s2] =	dma.local @!p0 [hbm:s0], s1  }
0x50: {  	s0 =	simm.s32 @!p0 $0x2  }
0x51: {  	_ =	swait.ge @!p0 [sflag:s0], s1  }
0x52: {  	s1 =	ssub.s32 @!p0 $0x0, s1;
	[sflag:s0] =	ssyncset.done @!p0 $0x0  }
0x53: {  	[sflag:s0] =	ssyncadd.s32 @!p0 s1  }
0x54: {  	[bflag:$0x3] =	sbarrier.arrive $0xFFFF  }
0x55: {  	_ =	shalt  }

</sc_bundles>
